<compile_context>
chip_gen: v7x
topology: tpu7x:2x2x1
jax: 0.10.2.dev20260603
libtpu: 0.0.44.dev20260713+nightly
codegen_flags: <defaults>
</compile_context>

<pallas_src>
import functools

import jax
import jax.numpy as jnp
from jax import lax
from jax.experimental import pallas as pl
from jax.experimental.pallas import tpu as pltpu
from jax.experimental.pallas import tpu_sc as plsc

N = 10000
E = 320000
D = 128

NC = 2
TPS = 16
NW = NC * TPS
EPT = E // NW
B = 80
NB = EPT // B
RPT = 624
NTAIL = N - TPS * RPT

_mesh = plsc.VectorSubcoreMesh(core_axis_name="c", subcore_axis_name="s")


@functools.partial(
    pl.kernel,
    out_type=jax.ShapeDtypeStruct((NW, N), jnp.float32),
    mesh=_mesh,
    scratch_types=[
        pltpu.VMEM((EPT,), jnp.int32),
        pltpu.VMEM((N,), jnp.float32),
    ],
    compiler_params=pltpu.CompilerParams(needs_layout_passes=False),
)
def _sc_hist(dst_hbm, out_hbm, dst_v, hist_v):
    c = lax.axis_index("c")
    s = lax.axis_index("s")
    wid = c * TPS + s
    pltpu.sync_copy(dst_hbm.at[pl.ds(wid * EPT, EPT)], dst_v)

    zeros = jnp.zeros((16,), jnp.float32)

    def zbody(i, _):
        hist_v[pl.ds(i * 16, 16)] = zeros
        return 0

    lax.fori_loop(0, N // 16, zbody, 0)

    ones = jnp.ones((16,), jnp.float32)

    def body(i, _):
        idx = dst_v[pl.ds(i * 16, 16)]
        plsc.addupdate_scatter(hist_v, [idx], ones)
        return 0

    lax.fori_loop(0, EPT // 16, body, 0)
    pltpu.sync_copy(hist_v, out_hbm.at[wid])


@functools.partial(
    pl.kernel,
    out_type=jax.ShapeDtypeStruct((NC, N, D), jnp.float32),
    mesh=_mesh,
    scratch_types=[
        pltpu.VMEM((EPT,), jnp.int32),
        pltpu.VMEM((B,), jnp.int32),
        pltpu.VMEM((B, D), jnp.float32),
        pltpu.VMEM_SHARED((N, D), jnp.float32),
        pltpu.SemaphoreType.DMA,
    ],
    compiler_params=pltpu.CompilerParams(needs_layout_passes=False),
)
def _sc_scatter(ht_hbm, src_hbm, dst_hbm, zero_hbm, out_hbm,
                src_v, dst_blk, rows_v, acc_sh, gsem):
    c = lax.axis_index("c")
    s = lax.axis_index("s")
    wid = c * TPS + s
    base = wid * EPT
    pltpu.sync_copy(src_hbm.at[pl.ds(base, EPT)], src_v)
    r0 = s * RPT
    pltpu.sync_copy(zero_hbm.at[pl.ds(r0, RPT)], acc_sh.at[pl.ds(r0, RPT)])

    @pl.when(s == TPS - 1)
    def _():
        pltpu.sync_copy(zero_hbm.at[pl.ds(TPS * RPT, NTAIL)],
                        acc_sh.at[pl.ds(TPS * RPT, NTAIL)])

    plsc.subcore_barrier()

    def body(j, _):
        pltpu.sync_copy(dst_hbm.at[pl.ds(base + j * B, B)], dst_blk)
        pltpu.async_copy(ht_hbm.at[src_v.at[pl.ds(j * B, B)]], rows_v, gsem).wait()
        pltpu.sync_copy(rows_v, acc_sh.at[dst_blk], add=True)
        return 0

    lax.fori_loop(0, NB, body, 0)
    plsc.subcore_barrier()
    pltpu.sync_copy(acc_sh.at[pl.ds(r0, RPT)], out_hbm.at[c, pl.ds(r0, RPT)])

    @pl.when(s == TPS - 1)
    def _():
        pltpu.sync_copy(acc_sh.at[pl.ds(TPS * RPT, NTAIL)],
                        out_hbm.at[c, pl.ds(TPS * RPT, NTAIL)])


RB = 1000


def _tc_dinv_body(hist_ref, dinv_ref):
    deg = jnp.sum(hist_ref[...], axis=0) + 1.0
    dinv_ref[...] = lax.rsqrt(deg).reshape(N, 1)


def _tc_a_body(x_ref, dinv_ref, w_ref, h_ref, ht_ref):
    dinv = dinv_ref[...]
    h = jnp.dot(x_ref[...], w_ref[...], preferred_element_type=jnp.float32)
    h_ref[...] = h
    ht_ref[...] = h * dinv


def _tc_b_body(p_ref, dinv_ref, h1_ref, b1_ref, w2_ref, h2_ref, ht2_ref):
    dinv = dinv_ref[...]
    accum = p_ref[0] + p_ref[1]
    z1 = accum * dinv + h1_ref[...] * (dinv * dinv) + b1_ref[...]
    hrelu = jnp.maximum(z1, 0.0)
    h2 = jnp.dot(hrelu, w2_ref[...], preferred_element_type=jnp.float32)
    h2_ref[...] = h2
    ht2_ref[...] = h2 * dinv


def _tc_c_body(p_ref, dinv_ref, h2_ref, b2_ref, z_ref, ls_ref):
    dinv = dinv_ref[...]
    accum = p_ref[0] + p_ref[1]
    z = accum * dinv + h2_ref[...] * (dinv * dinv) + b2_ref[...]
    z_ref[...] = z
    m = jnp.max(z, axis=-1, keepdims=True)
    lse = jnp.log(jnp.sum(jnp.exp(z - m), axis=-1, keepdims=True)) + m
    ls_ref[...] = z - lse


_row_spec = pl.BlockSpec((RB, D), lambda i: (i, 0))
_dinv_spec = pl.BlockSpec((RB, 1), lambda i: (i, 0))
_w_spec = pl.BlockSpec((D, D), lambda i: (0, 0))
_b_spec = pl.BlockSpec((1, D), lambda i: (0, 0))
_part_spec = pl.BlockSpec((NC, RB, D), lambda i: (0, i, 0))
_grid = (N // RB,)

_tc_dinv = pl.pallas_call(
    _tc_dinv_body,
    out_shape=jax.ShapeDtypeStruct((N, 1), jnp.float32),
)

_tc_a = pl.pallas_call(
    _tc_a_body,
    grid=_grid,
    in_specs=[_row_spec, _dinv_spec, _w_spec],
    out_specs=[_row_spec, _row_spec],
    out_shape=[jax.ShapeDtypeStruct((N, D), jnp.float32)] * 2,
)

_tc_b = pl.pallas_call(
    _tc_b_body,
    grid=_grid,
    in_specs=[_part_spec, _dinv_spec, _row_spec, _b_spec, _w_spec],
    out_specs=[_row_spec, _row_spec],
    out_shape=[jax.ShapeDtypeStruct((N, D), jnp.float32)] * 2,
)

_tc_c = pl.pallas_call(
    _tc_c_body,
    grid=_grid,
    in_specs=[_part_spec, _dinv_spec, _row_spec, _b_spec],
    out_specs=[_row_spec, _row_spec],
    out_shape=[jax.ShapeDtypeStruct((N, D), jnp.float32)] * 2,
)


@jax.jit
def kernel(x, edge_index, W1, b1, W2, b2):
    src = edge_index[0]
    dst = edge_index[1]
    zero_rows = jnp.zeros((N, D), jnp.float32)
    b1r = b1.reshape(1, D)
    b2r = b2.reshape(1, D)

    hist = _sc_hist(dst)
    dinv = _tc_dinv(hist)
    h1, ht1 = _tc_a(x, dinv, W1)
    part1 = _sc_scatter(ht1, src, dst, zero_rows)
    h2, ht2 = _tc_b(part1, dinv, h1, b1r, W2)
    part2 = _sc_scatter(ht2, src, dst, zero_rows)
    z, ls = _tc_c(part2, dinv, h2, b2r)
    return (z, ls)

# --- scband reference (transcript-rebuilt; emitter-appended) ---
"""Pipeline reference for scband-my-gcn-31104153157816 (READ-ONLY COPY).

The authoritative reference and input builder live on the scoring server;
editing this copy changes nothing except your own understanding.
"""

import jax, jax.numpy as jnp
import numpy as np

N = 10000
E = 320000
D_IN = 128
D_HID = 128
D_OUT = 128


def setup_inputs(seed: int = 0) -> dict:
    key = jax.random.key(seed)
    k1, k2, k3, k4, k5, k6 = jax.random.split(key, 6)
    x = jax.random.normal(k1, (N, D_IN), dtype=jnp.float32)
    edge_index = jax.random.randint(k2, (2, E), 0, N, dtype=jnp.int32)
    # GCNConv learned parameters (glorot-style scaling)
    W1 = jax.random.normal(k3, (D_IN, D_HID), dtype=jnp.float32) * np.sqrt(2.0 / (D_IN + D_HID))
    b1 = jnp.zeros((D_HID,), dtype=jnp.float32)
    W2 = jax.random.normal(k4, (D_HID, D_OUT), dtype=jnp.float32) * np.sqrt(2.0 / (D_HID + D_OUT))
    b2 = jnp.zeros((D_OUT,), dtype=jnp.float32)
    return {"x": x, "edge_index": edge_index, "W1": W1, "b1": b1, "W2": W2, "b2": b2}


def gcn_conv(x, edge_index, W, b):
    # Standard GCNConv: add self-loops, symmetric normalization D^-1/2 (A+I) D^-1/2, then XW + b
    src = edge_index[0]
    dst = edge_index[1]
    loop = jnp.arange(N, dtype=src.dtype)
    src = jnp.concatenate([src, loop])
    dst = jnp.concatenate([dst, loop])
    h = x @ W
    deg = jnp.zeros((N,), dtype=x.dtype).at[dst].add(1.0)
    dinv = jnp.where(deg > 0, jax.lax.rsqrt(deg), 0.0)
    norm = dinv[src] * dinv[dst]
    msg = h[src] * norm[:, None]
    out = jnp.zeros((N, h.shape[1]), dtype=x.dtype).at[dst].add(msg)
    return out + b


def reference(x, edge_index, W1, b1, W2, b2):
    h = jax.nn.relu(gcn_conv(x, edge_index, W1, b1))
    z = gcn_conv(h, edge_index, W2, b2)
    node_embeddings = z
    return (node_embeddings, jax.nn.log_softmax(z, axis=-1))

if __name__ == "__main__":
    import jax
    _d = setup_inputs()
    print(jax.jit(kernel)(*tuple(_d.values())))

</pallas_src>

<mosaic_0001>
#map = affine_map<(d0, d1) -> (0, 0)>
#map1 = affine_map<(d0, d1) -> (0)>
#map2 = affine_map<(d0, d1) -> (0, 0, 0)>
module attributes {stable_mosaic.version = 14 : i64} {
  func.func @_sc_scatter(%arg0: i32, %arg1: i32, %arg2: memref<10000x128xf32, #tpu.memory_space<hbm>>, %arg3: memref<320000xi32, #tpu.memory_space<hbm>>, %arg4: memref<320000xi32, #tpu.memory_space<hbm>>, %arg5: memref<10000x128xf32, #tpu.memory_space<hbm>>, %arg6: memref<2x10000x128xf32, #tpu.memory_space<hbm>>, %arg7: memref<10000xi32, #tpu.memory_space<vmem>>, %arg8: memref<80xi32, #tpu.memory_space<vmem>>, %arg9: memref<80x128xf32, #tpu.memory_space<vmem>>, %arg10: memref<10000x128xf32, #tpu.memory_space<vmem_shared>>, %arg11: memref<!tpu.dma_semaphore, #tpu.memory_space<semaphore_mem>>) attributes {dimension_semantics = [#tpu.dimension_semantics<core_parallel>, #tpu.dimension_semantics<subcore_parallel>], iteration_bounds = array<i64: 2, 16>, scalar_prefetch = 0 : i64, scratch_operands = 5 : i64, tpu.core_type = #tpu.core_type<sc_vector_subcore>, window_params = [{transform_indices = #map}, {transform_indices = #map1}, {transform_indices = #map1}, {transform_indices = #map}, {transform_indices = #map2}]} {
    %mul3A = arith.constant 16 : i32
    %mul3A_0 = arith.muli %arg0, %mul3A : i32
    %add3A = arith.addi %mul3A_0, %arg1 : i32
    %mul3A_1 = arith.constant 10000 : i32
    %mul3A_2 = arith.muli %add3A, %mul3A_1 : i32
    "tpu.region"() ({
      %run_scoped3A = tpu.sem_alloc : memref<!tpu.dma_semaphore, #tpu.memory_space<semaphore_mem>>
      %dma_start3A = tpu.memref_slice %arg3[%mul3A_2] : memref<320000xi32, #tpu.memory_space<hbm>> -> memref<10000xi32, #tpu.memory_space<hbm>>
      %dma_start3A_19 = tpu.memref_slice %arg3[%mul3A_2] : memref<320000xi32, #tpu.memory_space<hbm>> -> memref<10000xi32, #tpu.memory_space<hbm>>
      tpu.enqueue_dma source(%dma_start3A_19 : memref<10000xi32, #tpu.memory_space<hbm>>) target(%arg7 : memref<10000xi32, #tpu.memory_space<vmem>>) target_semaphore(%run_scoped3A : memref<!tpu.dma_semaphore, #tpu.memory_space<semaphore_mem>>)
      %dma_wait3A = tpu.memref_slice %arg3[%mul3A_2] : memref<320000xi32, #tpu.memory_space<hbm>> -> memref<10000xi32, #tpu.memory_space<hbm>>
      %dma_wait3A_20 = tpu.memref_slice %arg3[%mul3A_2] : memref<320000xi32, #tpu.memory_space<hbm>> -> memref<10000xi32, #tpu.memory_space<hbm>>
      tpu.wait_dma2 semaphore(%run_scoped3A : memref<!tpu.dma_semaphore, #tpu.memory_space<semaphore_mem>>) src(%dma_wait3A_20 : memref<10000xi32, #tpu.memory_space<hbm>>) dst(%arg7 : memref<10000xi32, #tpu.memory_space<vmem>>)
      tpu.yield
    }) : () -> ()
    %mul3A_3 = arith.constant 624 : i32
    %mul3A_4 = arith.muli %arg1, %mul3A_3 : i32
    "tpu.region"() ({
      %run_scoped3A = tpu.sem_alloc : memref<!tpu.dma_semaphore, #tpu.memory_space<semaphore_mem>>
      %dma_start3A = arith.constant 0 : i32
      %dma_start3A_19 = tpu.memref_slice %arg10[%mul3A_4, %dma_start3A] : memref<10000x128xf32, #tpu.memory_space<vmem_shared>> -> memref<624x128xf32, #tpu.memory_space<vmem_shared>>
      %dma_start3A_20 = arith.constant 0 : i32
      %dma_start3A_21 = tpu.memref_slice %arg5[%mul3A_4, %dma_start3A_20] : memref<10000x128xf32, #tpu.memory_space<hbm>> -> memref<624x128xf32, #tpu.memory_space<hbm>>
      tpu.enqueue_dma source(%dma_start3A_21 : memref<624x128xf32, #tpu.memory_space<hbm>>) target(%dma_start3A_19 : memref<624x128xf32, #tpu.memory_space<vmem_shared>>) target_semaphore(%run_scoped3A : memref<!tpu.dma_semaphore, #tpu.memory_space<semaphore_mem>>)
      %dma_wait3A = arith.constant 0 : i32
      %dma_wait3A_22 = tpu.memref_slice %arg10[%mul3A_4, %dma_wait3A] : memref<10000x128xf32, #tpu.memory_space<vmem_shared>> -> memref<624x128xf32, #tpu.memory_space<vmem_shared>>
      %dma_wait3A_23 = arith.constant 0 : i32
      %dma_wait3A_24 = tpu.memref_slice %arg5[%mul3A_4, %dma_wait3A_23] : memref<10000x128xf32, #tpu.memory_space<hbm>> -> memref<624x128xf32, #tpu.memory_space<hbm>>
      tpu.wait_dma2 semaphore(%run_scoped3A : memref<!tpu.dma_semaphore, #tpu.memory_space<semaphore_mem>>) src(%dma_wait3A_24 : memref<624x128xf32, #tpu.memory_space<hbm>>) dst(%dma_wait3A_22 : memref<624x128xf32, #tpu.memory_space<vmem_shared>>)
      tpu.yield
    }) : () -> ()
    %eq3A = arith.constant 15 : i32
    %eq3A_5 = arith.cmpi eq, %arg1, %eq3A : i32
    %convert_element_type3A = arith.extui %eq3A_5 : i1 to i32
    %cond3A = arith.constant 0 : i32
    %cond3A_6 = arith.cmpi ne, %convert_element_type3A, %cond3A : i32
    scf.if %cond3A_6 {
      "tpu.region"() ({
        %run_scoped3A = tpu.sem_alloc : memref<!tpu.dma_semaphore, #tpu.memory_space<semaphore_mem>>
        %dma_start3A = arith.constant 9984 : i32
        %dma_start3A_19 = arith.constant 0 : i32
        %dma_start3A_20 = tpu.memref_slice %arg10[%dma_start3A, %dma_start3A_19] : memref<10000x128xf32, #tpu.memory_space<vmem_shared>> -> memref<16x128xf32, #tpu.memory_space<vmem_shared>>
        %dma_start3A_21 = arith.constant 9984 : i32
        %dma_start3A_22 = arith.constant 0 : i32
        %dma_start3A_23 = tpu.memref_slice %arg5[%dma_start3A_21, %dma_start3A_22] : memref<10000x128xf32, #tpu.memory_space<hbm>> -> memref<16x128xf32, #tpu.memory_space<hbm>>
        tpu.enqueue_dma source(%dma_start3A_23 : memref<16x128xf32, #tpu.memory_space<hbm>>) target(%dma_start3A_20 : memref<16x128xf32, #tpu.memory_space<vmem_shared>>) target_semaphore(%run_scoped3A : memref<!tpu.dma_semaphore, #tpu.memory_space<semaphore_mem>>)
        %dma_wait3A = arith.constant 9984 : i32
        %dma_wait3A_24 = arith.constant 0 : i32
        %dma_wait3A_25 = tpu.memref_slice %arg10[%dma_wait3A, %dma_wait3A_24] : memref<10000x128xf32, #tpu.memory_space<vmem_shared>> -> memref<16x128xf32, #tpu.memory_space<vmem_shared>>
        %dma_wait3A_26 = arith.constant 9984 : i32
        %dma_wait3A_27 = arith.constant 0 : i32
        %dma_wait3A_28 = tpu.memref_slice %arg5[%dma_wait3A_26, %dma_wait3A_27] : memref<10000x128xf32, #tpu.memory_space<hbm>> -> memref<16x128xf32, #tpu.memory_space<hbm>>
        tpu.wait_dma2 semaphore(%run_scoped3A : memref<!tpu.dma_semaphore, #tpu.memory_space<semaphore_mem>>) src(%dma_wait3A_28 : memref<16x128xf32, #tpu.memory_space<hbm>>) dst(%dma_wait3A_25 : memref<16x128xf32, #tpu.memory_space<vmem_shared>>)
        tpu.yield
      }) : () -> ()
    } else {
    }
    %barrier3A = arith.constant 0 : index
    tpu.barrier barrier_id(%barrier3A)
    %scan3A = arith.constant 0 : i32
    %scan3A_7 = arith.constant 0 : i32
    %scan3A_8 = arith.constant 125 : i32
    %scan3A_9 = arith.addi %scan3A_7, %scan3A_8 : i32
    %scan3A_10 = arith.constant 1 : i32
    %scan3A_11 = scf.for %scan3A_19 = %scan3A_7 to %scan3A_9 step %scan3A_10 iter_args(%scan3A_20 = %scan3A) -> (i32)  : i32 {
      %mul3A_21 = arith.constant 80 : i32
      %mul3A_22 = arith.muli %scan3A_19, %mul3A_21 : i32
      %add3A_23 = arith.addi %mul3A_2, %mul3A_22 : i32
      "tpu.region"() ({
        %run_scoped3A = tpu.sem_alloc : memref<!tpu.dma_semaphore, #tpu.memory_space<semaphore_mem>>
        %dma_start3A_33 = tpu.memref_slice %arg4[%add3A_23] : memref<320000xi32, #tpu.memory_space<hbm>> -> memref<80xi32, #tpu.memory_space<hbm>>
        %dma_start3A_34 = tpu.memref_slice %arg4[%add3A_23] : memref<320000xi32, #tpu.memory_space<hbm>> -> memref<80xi32, #tpu.memory_space<hbm>>
        tpu.enqueue_dma source(%dma_start3A_34 : memref<80xi32, #tpu.memory_space<hbm>>) target(%arg8 : memref<80xi32, #tpu.memory_space<vmem>>) target_semaphore(%run_scoped3A : memref<!tpu.dma_semaphore, #tpu.memory_space<semaphore_mem>>)
        %dma_wait3A_35 = tpu.memref_slice %arg4[%add3A_23] : memref<320000xi32, #tpu.memory_space<hbm>> -> memref<80xi32, #tpu.memory_space<hbm>>
        %dma_wait3A_36 = tpu.memref_slice %arg4[%add3A_23] : memref<320000xi32, #tpu.memory_space<hbm>> -> memref<80xi32, #tpu.memory_space<hbm>>
        tpu.wait_dma2 semaphore(%run_scoped3A : memref<!tpu.dma_semaphore, #tpu.memory_space<semaphore_mem>>) src(%dma_wait3A_36 : memref<80xi32, #tpu.memory_space<hbm>>) dst(%arg8 : memref<80xi32, #tpu.memory_space<vmem>>)
        tpu.yield
      }) : () -> ()
      %mul3A_24 = arith.constant 80 : i32
      %mul3A_25 = arith.muli %scan3A_19, %mul3A_24 : i32
      %dma_start3A = tpu.memref_slice %arg7[%mul3A_25] : memref<10000xi32, #tpu.memory_space<vmem>> -> memref<80xi32, #tpu.memory_space<vmem>>
      %dma_start3A_26 = arith.constant 0 : i32
      %dma_start3A_27 = arith.constant 0 : i32
      %dma_start3A_28 = tpu.memref_slice %arg2[%dma_start3A_26, %dma_start3A_27] : memref<10000x128xf32, #tpu.memory_space<hbm>> -> memref<10000x128xf32, #tpu.memory_space<hbm>>
      tpu.enqueue_indirect_dma source(%dma_start3A_28 : memref<10000x128xf32, #tpu.memory_space<hbm>>) target(%arg9 : memref<80x128xf32, #tpu.memory_space<vmem>>) offsets(%dma_start3A : memref<80xi32, #tpu.memory_space<vmem>>) semaphore(%arg11 : memref<!tpu.dma_semaphore, #tpu.memory_space<semaphore_mem>>)
      %dma_wait3A = tpu.memref_slice %arg7[%mul3A_25] : memref<10000xi32, #tpu.memory_space<vmem>> -> memref<80xi32, #tpu.memory_space<vmem>>
      %dma_wait3A_29 = arith.constant 0 : i32
      %dma_wait3A_30 = arith.constant 0 : i32
      %dma_wait3A_31 = tpu.memref_slice %arg2[%dma_wait3A_29, %dma_wait3A_30] : memref<10000x128xf32, #tpu.memory_space<hbm>> -> memref<10000x128xf32, #tpu.memory_space<hbm>>
      tpu.wait_indirect_dma semaphore(%arg11 : memref<!tpu.dma_semaphore, #tpu.memory_space<semaphore_mem>>) src(%dma_wait3A_31 : memref<10000x128xf32, #tpu.memory_space<hbm>>) dst(%arg9 : memref<80x128xf32, #tpu.memory_space<vmem>>)
      "tpu.region"() ({
        %run_scoped3A = tpu.sem_alloc : memref<!tpu.dma_semaphore, #tpu.memory_space<semaphore_mem>>
        %dma_start3A_33 = arith.constant 0 : i32
        %dma_start3A_34 = arith.constant 0 : i32
        %dma_start3A_35 = tpu.memref_slice %arg10[%dma_start3A_33, %dma_start3A_34] : memref<10000x128xf32, #tpu.memory_space<vmem_shared>> -> memref<10000x128xf32, #tpu.memory_space<vmem_shared>>
        tpu.enqueue_indirect_dma source(%arg9 : memref<80x128xf32, #tpu.memory_space<vmem>>) target(%dma_start3A_35 : memref<10000x128xf32, #tpu.memory_space<vmem_shared>>) offsets(%arg8 : memref<80xi32, #tpu.memory_space<vmem>>) semaphore(%run_scoped3A : memref<!tpu.dma_semaphore, #tpu.memory_space<semaphore_mem>>) {add = true}
        %dma_wait3A_36 = arith.constant 0 : i32
        %dma_wait3A_37 = arith.constant 0 : i32
        %dma_wait3A_38 = tpu.memref_slice %arg10[%dma_wait3A_36, %dma_wait3A_37] : memref<10000x128xf32, #tpu.memory_space<vmem_shared>> -> memref<10000x128xf32, #tpu.memory_space<vmem_shared>>
        tpu.wait_indirect_dma semaphore(%run_scoped3A : memref<!tpu.dma_semaphore, #tpu.memory_space<semaphore_mem>>) src(%arg9 : memref<80x128xf32, #tpu.memory_space<vmem>>) dst(%dma_wait3A_38 : memref<10000x128xf32, #tpu.memory_space<vmem_shared>>)
        tpu.yield
      }) : () -> ()
      %scan3A_32 = arith.constant 0 : i32
      scf.yield %scan3A_32 : i32
    }
    %scan3A_12 = arith.constant 125 : i32
    %barrier3A_13 = arith.constant 0 : index
    tpu.barrier barrier_id(%barrier3A_13)
    "tpu.region"() ({
      %run_scoped3A = tpu.sem_alloc : memref<!tpu.dma_semaphore, #tpu.memory_space<semaphore_mem>>
      %dma_start3A = arith.constant 0 : i32
      %dma_start3A_19 = tpu.memref_slice %arg6[%arg0, %mul3A_4, %dma_start3A] : memref<2x10000x128xf32, #tpu.memory_space<hbm>> -> memref<1x624x128xf32, #tpu.memory_space<hbm>>
      %dma_start3A_20 = tpu.memref_squeeze %dma_start3A_19 : memref<1x624x128xf32, #tpu.memory_space<hbm>> -> memref<624x128xf32, #tpu.memory_space<hbm>>
      %dma_start3A_21 = arith.constant 0 : i32
      %dma_start3A_22 = tpu.memref_slice %arg10[%mul3A_4, %dma_start3A_21] : memref<10000x128xf32, #tpu.memory_space<vmem_shared>> -> memref<624x128xf32, #tpu.memory_space<vmem_shared>>
      tpu.enqueue_dma source(%dma_start3A_22 : memref<624x128xf32, #tpu.memory_space<vmem_shared>>) target(%dma_start3A_20 : memref<624x128xf32, #tpu.memory_space<hbm>>) target_semaphore(%run_scoped3A : memref<!tpu.dma_semaphore, #tpu.memory_space<semaphore_mem>>)
      %dma_wait3A = arith.constant 0 : i32
      %dma_wait3A_23 = tpu.memref_slice %arg6[%arg0, %mul3A_4, %dma_wait3A] : memref<2x10000x128xf32, #tpu.memory_space<hbm>> -> memref<1x624x128xf32, #tpu.memory_space<hbm>>
      %dma_wait3A_24 = tpu.memref_squeeze %dma_wait3A_23 : memref<1x624x128xf32, #tpu.memory_space<hbm>> -> memref<624x128xf32, #tpu.memory_space<hbm>>
      %dma_wait3A_25 = arith.constant 0 : i32
      %dma_wait3A_26 = tpu.memref_slice %arg10[%mul3A_4, %dma_wait3A_25] : memref<10000x128xf32, #tpu.memory_space<vmem_shared>> -> memref<624x128xf32, #tpu.memory_space<vmem_shared>>
      tpu.wait_dma2 semaphore(%run_scoped3A : memref<!tpu.dma_semaphore, #tpu.memory_space<semaphore_mem>>) src(%dma_wait3A_26 : memref<624x128xf32, #tpu.memory_space<vmem_shared>>) dst(%dma_wait3A_24 : memref<624x128xf32, #tpu.memory_space<hbm>>)
      tpu.yield
    }) : () -> ()
    %eq3A_14 = arith.constant 15 : i32
    %eq3A_15 = arith.cmpi eq, %arg1, %eq3A_14 : i32
    %convert_element_type3A_16 = arith.extui %eq3A_15 : i1 to i32
    %cond3A_17 = arith.constant 0 : i32
    %cond3A_18 = arith.cmpi ne, %convert_element_type3A_16, %cond3A_17 : i32
    scf.if %cond3A_18 {
      "tpu.region"() ({
        %run_scoped3A = tpu.sem_alloc : memref<!tpu.dma_semaphore, #tpu.memory_space<semaphore_mem>>
        %dma_start3A = arith.constant 9984 : i32
        %dma_start3A_19 = arith.constant 0 : i32
        %dma_start3A_20 = tpu.memref_slice %arg6[%arg0, %dma_start3A, %dma_start3A_19] : memref<2x10000x128xf32, #tpu.memory_space<hbm>> -> memref<1x16x128xf32, #tpu.memory_space<hbm>>
        %dma_start3A_21 = tpu.memref_squeeze %dma_start3A_20 : memref<1x16x128xf32, #tpu.memory_space<hbm>> -> memref<16x128xf32, #tpu.memory_space<hbm>>
        %dma_start3A_22 = arith.constant 9984 : i32
        %dma_start3A_23 = arith.constant 0 : i32
        %dma_start3A_24 = tpu.memref_slice %arg10[%dma_start3A_22, %dma_start3A_23] : memref<10000x128xf32, #tpu.memory_space<vmem_shared>> -> memref<16x128xf32, #tpu.memory_space<vmem_shared>>
        tpu.enqueue_dma source(%dma_start3A_24 : memref<16x128xf32, #tpu.memory_space<vmem_shared>>) target(%dma_start3A_21 : memref<16x128xf32, #tpu.memory_space<hbm>>) target_semaphore(%run_scoped3A : memref<!tpu.dma_semaphore, #tpu.memory_space<semaphore_mem>>)
        %dma_wait3A = arith.constant 9984 : i32
        %dma_wait3A_25 = arith.constant 0 : i32
        %dma_wait3A_26 = tpu.memref_slice %arg6[%arg0, %dma_wait3A, %dma_wait3A_25] : memref<2x10000x128xf32, #tpu.memory_space<hbm>> -> memref<1x16x128xf32, #tpu.memory_space<hbm>>
        %dma_wait3A_27 = tpu.memref_squeeze %dma_wait3A_26 : memref<1x16x128xf32, #tpu.memory_space<hbm>> -> memref<16x128xf32, #tpu.memory_space<hbm>>
        %dma_wait3A_28 = arith.constant 9984 : i32
        %dma_wait3A_29 = arith.constant 0 : i32
        %dma_wait3A_30 = tpu.memref_slice %arg10[%dma_wait3A_28, %dma_wait3A_29] : memref<10000x128xf32, #tpu.memory_space<vmem_shared>> -> memref<16x128xf32, #tpu.memory_space<vmem_shared>>
        tpu.wait_dma2 semaphore(%run_scoped3A : memref<!tpu.dma_semaphore, #tpu.memory_space<semaphore_mem>>) src(%dma_wait3A_30 : memref<16x128xf32, #tpu.memory_space<vmem_shared>>) dst(%dma_wait3A_27 : memref<16x128xf32, #tpu.memory_space<hbm>>)
        tpu.yield
      }) : () -> ()
    } else {
    }
    return
  }
}

#map = affine_map<(d0, d1) -> (0)>
#map1 = affine_map<(d0, d1) -> (0, 0)>
module attributes {stable_mosaic.version = 14 : i64} {
  func.func @_sc_hist(%arg0: i32, %arg1: i32, %arg2: memref<320000xi32, #tpu.memory_space<hbm>>, %arg3: memref<32x10000xf32, #tpu.memory_space<hbm>>, %arg4: memref<10000xi32, #tpu.memory_space<vmem>>, %arg5: memref<10000xf32, #tpu.memory_space<vmem>>) attributes {dimension_semantics = [#tpu.dimension_semantics<core_parallel>, #tpu.dimension_semantics<subcore_parallel>], iteration_bounds = array<i64: 2, 16>, scalar_prefetch = 0 : i64, scratch_operands = 2 : i64, tpu.core_type = #tpu.core_type<sc_vector_subcore>, window_params = [{transform_indices = #map}, {transform_indices = #map1}]} {
    %mul3A = arith.constant 16 : i32
    %mul3A_0 = arith.muli %arg0, %mul3A : i32
    %add3A = arith.addi %mul3A_0, %arg1 : i32
    %mul3A_1 = arith.constant 10000 : i32
    %mul3A_2 = arith.muli %add3A, %mul3A_1 : i32
    "tpu.region"() ({
      %run_scoped3A = tpu.sem_alloc : memref<!tpu.dma_semaphore, #tpu.memory_space<semaphore_mem>>
      %dma_start3A = tpu.memref_slice %arg2[%mul3A_2] : memref<320000xi32, #tpu.memory_space<hbm>> -> memref<10000xi32, #tpu.memory_space<hbm>>
      %dma_start3A_19 = tpu.memref_slice %arg2[%mul3A_2] : memref<320000xi32, #tpu.memory_space<hbm>> -> memref<10000xi32, #tpu.memory_space<hbm>>
      tpu.enqueue_dma source(%dma_start3A_19 : memref<10000xi32, #tpu.memory_space<hbm>>) target(%arg4 : memref<10000xi32, #tpu.memory_space<vmem>>) target_semaphore(%run_scoped3A : memref<!tpu.dma_semaphore, #tpu.memory_space<semaphore_mem>>)
      %dma_wait3A = tpu.memref_slice %arg2[%mul3A_2] : memref<320000xi32, #tpu.memory_space<hbm>> -> memref<10000xi32, #tpu.memory_space<hbm>>
      %dma_wait3A_20 = tpu.memref_slice %arg2[%mul3A_2] : memref<320000xi32, #tpu.memory_space<hbm>> -> memref<10000xi32, #tpu.memory_space<hbm>>
      tpu.wait_dma2 semaphore(%run_scoped3A : memref<!tpu.dma_semaphore, #tpu.memory_space<semaphore_mem>>) src(%dma_wait3A_20 : memref<10000xi32, #tpu.memory_space<hbm>>) dst(%arg4 : memref<10000xi32, #tpu.memory_space<vmem>>)
      tpu.yield
    }) : () -> ()
    %broadcast_in_dim3A = arith.constant 0.000000e+00 : f32
    %broadcast_in_dim3A_3 = vector.broadcast %broadcast_in_dim3A : f32 to vector<16xf32>
    %scan3A = arith.constant 0 : i32
    %scan3A_4 = arith.constant 0 : i32
    %scan3A_5 = arith.constant 625 : i32
    %scan3A_6 = arith.addi %scan3A_4, %scan3A_5 : i32
    %scan3A_7 = arith.constant 1 : i32
    %scan3A_8 = scf.for %scan3A_19 = %scan3A_4 to %scan3A_6 step %scan3A_7 iter_args(%scan3A_20 = %scan3A) -> (i32)  : i32 {
      %mul3A_21 = arith.constant 16 : i32
      %mul3A_22 = arith.muli %scan3A_19, %mul3A_21 : i32
      %swap3A = arith.index_cast %mul3A_22 : i32 to index
      %swap3A_23 = tpu.vector_load %arg5[%swap3A] {strides = array<i32>} : memref<10000xf32, #tpu.memory_space<vmem>>, vector<16xf32>,
      tpu.vector_store %arg5[%swap3A], %broadcast_in_dim3A_3 {strides = array<i32>} : memref<10000xf32, #tpu.memory_space<vmem>>, vector<16xf32>,
      %scan3A_24 = arith.constant 0 : i32
      scf.yield %scan3A_24 : i32
    }
    %scan3A_9 = arith.constant 625 : i32
    %broadcast_in_dim3A_10 = arith.constant 1.000000e+00 : f32
    %broadcast_in_dim3A_11 = vector.broadcast %broadcast_in_dim3A_10 : f32 to vector<16xf32>
    %scan3A_12 = arith.constant 0 : i32
    %scan3A_13 = arith.constant 0 : i32
    %scan3A_14 = arith.constant 625 : i32
    %scan3A_15 = arith.addi %scan3A_13, %scan3A_14 : i32
    %scan3A_16 = arith.constant 1 : i32
    %scan3A_17 = scf.for %scan3A_19 = %scan3A_13 to %scan3A_15 step %scan3A_16 iter_args(%scan3A_20 = %scan3A_12) -> (i32)  : i32 {
      %mul3A_21 = arith.constant 16 : i32
      %mul3A_22 = arith.muli %scan3A_19, %mul3A_21 : i32
      %get3A = arith.index_cast %mul3A_22 : i32 to index
      %get3A_23 = tpu.vector_load %arg4[%get3A] {strides = array<i32>} : memref<10000xi32, #tpu.memory_space<vmem>>, vector<16xi32>,
      tpu.vector_store_idx %arg5[%get3A_23], %broadcast_in_dim3A_11 {add = true} : memref<10000xf32, #tpu.memory_space<vmem>>[vector<16xi32>], vector<16xf32>,
      %scan3A_24 = arith.constant 0 : i32
      scf.yield %scan3A_24 : i32
    }
    %scan3A_18 = arith.constant 625 : i32
    "tpu.region"() ({
      %run_scoped3A = tpu.sem_alloc : memref<!tpu.dma_semaphore, #tpu.memory_space<semaphore_mem>>
      %dma_start3A = arith.constant 0 : i32
      %dma_start3A_19 = tpu.memref_slice %arg3[%add3A, %dma_start3A] : memref<32x10000xf32, #tpu.memory_space<hbm>> -> memref<1x10000xf32, #tpu.memory_space<hbm>>
      %dma_start3A_20 = tpu.memref_squeeze %dma_start3A_19 : memref<1x10000xf32, #tpu.memory_space<hbm>> -> memref<10000xf32, #tpu.memory_space<hbm>>
      %dma_start3A_21 = arith.constant 0 : i32
      %dma_start3A_22 = tpu.memref_slice %arg3[%add3A, %dma_start3A_21] : memref<32x10000xf32, #tpu.memory_space<hbm>> -> memref<1x10000xf32, #tpu.memory_space<hbm>>
      %dma_start3A_23 = tpu.memref_squeeze %dma_start3A_22 : memref<1x10000xf32, #tpu.memory_space<hbm>> -> memref<10000xf32, #tpu.memory_space<hbm>>
      tpu.enqueue_dma source(%arg5 : memref<10000xf32, #tpu.memory_space<vmem>>) target(%dma_start3A_23 : memref<10000xf32, #tpu.memory_space<hbm>>) target_semaphore(%run_scoped3A : memref<!tpu.dma_semaphore, #tpu.memory_space<semaphore_mem>>)
      %dma_wait3A = arith.constant 0 : i32
      %dma_wait3A_24 = tpu.memref_slice %arg3[%add3A, %dma_wait3A] : memref<32x10000xf32, #tpu.memory_space<hbm>> -> memref<1x10000xf32, #tpu.memory_space<hbm>>
      %dma_wait3A_25 = tpu.memref_squeeze %dma_wait3A_24 : memref<1x10000xf32, #tpu.memory_space<hbm>> -> memref<10000xf32, #tpu.memory_space<hbm>>
      %dma_wait3A_26 = arith.constant 0 : i32
      %dma_wait3A_27 = tpu.memref_slice %arg3[%add3A, %dma_wait3A_26] : memref<32x10000xf32, #tpu.memory_space<hbm>> -> memref<1x10000xf32, #tpu.memory_space<hbm>>
      %dma_wait3A_28 = tpu.memref_squeeze %dma_wait3A_27 : memref<1x10000xf32, #tpu.memory_space<hbm>> -> memref<10000xf32, #tpu.memory_space<hbm>>
      tpu.wait_dma2 semaphore(%run_scoped3A : memref<!tpu.dma_semaphore, #tpu.memory_space<semaphore_mem>>) src(%arg5 : memref<10000xf32, #tpu.memory_space<vmem>>) dst(%dma_wait3A_28 : memref<10000xf32, #tpu.memory_space<hbm>>)
      tpu.yield
    }) : () -> ()
    return
  }
}

#map = affine_map<(d0, d1) -> (0, 0)>
#map1 = affine_map<(d0, d1) -> (0)>
#map2 = affine_map<(d0, d1) -> (0, 0, 0)>
module attributes {stable_mosaic.version = 14 : i64} {
  func.func @_sc_scatter(%arg0: i32, %arg1: i32, %arg2: memref<10000x128xf32, #tpu.memory_space<hbm>>, %arg3: memref<320000xi32, #tpu.memory_space<hbm>>, %arg4: memref<320000xi32, #tpu.memory_space<hbm>>, %arg5: memref<10000x128xf32, #tpu.memory_space<hbm>>, %arg6: memref<2x10000x128xf32, #tpu.memory_space<hbm>>, %arg7: memref<10000xi32, #tpu.memory_space<vmem>>, %arg8: memref<80xi32, #tpu.memory_space<vmem>>, %arg9: memref<80x128xf32, #tpu.memory_space<vmem>>, %arg10: memref<10000x128xf32, #tpu.memory_space<vmem_shared>>, %arg11: memref<!tpu.dma_semaphore, #tpu.memory_space<semaphore_mem>>) attributes {dimension_semantics = [#tpu.dimension_semantics<core_parallel>, #tpu.dimension_semantics<subcore_parallel>], iteration_bounds = array<i64: 2, 16>, scalar_prefetch = 0 : i64, scratch_operands = 5 : i64, tpu.core_type = #tpu.core_type<sc_vector_subcore>, window_params = [{transform_indices = #map}, {transform_indices = #map1}, {transform_indices = #map1}, {transform_indices = #map}, {transform_indices = #map2}]} {
    %mul3A = arith.constant 16 : i32
    %mul3A_0 = arith.muli %arg0, %mul3A : i32
    %add3A = arith.addi %mul3A_0, %arg1 : i32
    %mul3A_1 = arith.constant 10000 : i32
    %mul3A_2 = arith.muli %add3A, %mul3A_1 : i32
    "tpu.region"() ({
      %run_scoped3A = tpu.sem_alloc : memref<!tpu.dma_semaphore, #tpu.memory_space<semaphore_mem>>
      %dma_start3A = tpu.memref_slice %arg3[%mul3A_2] : memref<320000xi32, #tpu.memory_space<hbm>> -> memref<10000xi32, #tpu.memory_space<hbm>>
      %dma_start3A_19 = tpu.memref_slice %arg3[%mul3A_2] : memref<320000xi32, #tpu.memory_space<hbm>> -> memref<10000xi32, #tpu.memory_space<hbm>>
      tpu.enqueue_dma source(%dma_start3A_19 : memref<10000xi32, #tpu.memory_space<hbm>>) target(%arg7 : memref<10000xi32, #tpu.memory_space<vmem>>) target_semaphore(%run_scoped3A : memref<!tpu.dma_semaphore, #tpu.memory_space<semaphore_mem>>)
      %dma_wait3A = tpu.memref_slice %arg3[%mul3A_2] : memref<320000xi32, #tpu.memory_space<hbm>> -> memref<10000xi32, #tpu.memory_space<hbm>>
      %dma_wait3A_20 = tpu.memref_slice %arg3[%mul3A_2] : memref<320000xi32, #tpu.memory_space<hbm>> -> memref<10000xi32, #tpu.memory_space<hbm>>
      tpu.wait_dma2 semaphore(%run_scoped3A : memref<!tpu.dma_semaphore, #tpu.memory_space<semaphore_mem>>) src(%dma_wait3A_20 : memref<10000xi32, #tpu.memory_space<hbm>>) dst(%arg7 : memref<10000xi32, #tpu.memory_space<vmem>>)
      tpu.yield
    }) : () -> ()
    %mul3A_3 = arith.constant 624 : i32
    %mul3A_4 = arith.muli %arg1, %mul3A_3 : i32
    "tpu.region"() ({
      %run_scoped3A = tpu.sem_alloc : memref<!tpu.dma_semaphore, #tpu.memory_space<semaphore_mem>>
      %dma_start3A = arith.constant 0 : i32
      %dma_start3A_19 = tpu.memref_slice %arg10[%mul3A_4, %dma_start3A] : memref<10000x128xf32, #tpu.memory_space<vmem_shared>> -> memref<624x128xf32, #tpu.memory_space<vmem_shared>>
      %dma_start3A_20 = arith.constant 0 : i32
      %dma_start3A_21 = tpu.memref_slice %arg5[%mul3A_4, %dma_start3A_20] : memref<10000x128xf32, #tpu.memory_space<hbm>> -> memref<624x128xf32, #tpu.memory_space<hbm>>
      tpu.enqueue_dma source(%dma_start3A_21 : memref<624x128xf32, #tpu.memory_space<hbm>>) target(%dma_start3A_19 : memref<624x128xf32, #tpu.memory_space<vmem_shared>>) target_semaphore(%run_scoped3A : memref<!tpu.dma_semaphore, #tpu.memory_space<semaphore_mem>>)
      %dma_wait3A = arith.constant 0 : i32
      %dma_wait3A_22 = tpu.memref_slice %arg10[%mul3A_4, %dma_wait3A] : memref<10000x128xf32, #tpu.memory_space<vmem_shared>> -> memref<624x128xf32, #tpu.memory_space<vmem_shared>>
      %dma_wait3A_23 = arith.constant 0 : i32
      %dma_wait3A_24 = tpu.memref_slice %arg5[%mul3A_4, %dma_wait3A_23] : memref<10000x128xf32, #tpu.memory_space<hbm>> -> memref<624x128xf32, #tpu.memory_space<hbm>>
      tpu.wait_dma2 semaphore(%run_scoped3A : memref<!tpu.dma_semaphore, #tpu.memory_space<semaphore_mem>>) src(%dma_wait3A_24 : memref<624x128xf32, #tpu.memory_space<hbm>>) dst(%dma_wait3A_22 : memref<624x128xf32, #tpu.memory_space<vmem_shared>>)
      tpu.yield
    }) : () -> ()
    %eq3A = arith.constant 15 : i32
    %eq3A_5 = arith.cmpi eq, %arg1, %eq3A : i32
    %convert_element_type3A = arith.extui %eq3A_5 : i1 to i32
    %cond3A = arith.constant 0 : i32
    %cond3A_6 = arith.cmpi ne, %convert_element_type3A, %cond3A : i32
    scf.if %cond3A_6 {
      "tpu.region"() ({
        %run_scoped3A = tpu.sem_alloc : memref<!tpu.dma_semaphore, #tpu.memory_space<semaphore_mem>>
        %dma_start3A = arith.constant 9984 : i32
        %dma_start3A_19 = arith.constant 0 : i32
        %dma_start3A_20 = tpu.memref_slice %arg10[%dma_start3A, %dma_start3A_19] : memref<10000x128xf32, #tpu.memory_space<vmem_shared>> -> memref<16x128xf32, #tpu.memory_space<vmem_shared>>
        %dma_start3A_21 = arith.constant 9984 : i32
        %dma_start3A_22 = arith.constant 0 : i32
        %dma_start3A_23 = tpu.memref_slice %arg5[%dma_start3A_21, %dma_start3A_22] : memref<10000x128xf32, #tpu.memory_space<hbm>> -> memref<16x128xf32, #tpu.memory_space<hbm>>
        tpu.enqueue_dma source(%dma_start3A_23 : memref<16x128xf32, #tpu.memory_space<hbm>>) target(%dma_start3A_20 : memref<16x128xf32, #tpu.memory_space<vmem_shared>>) target_semaphore(%run_scoped3A : memref<!tpu.dma_semaphore, #tpu.memory_space<semaphore_mem>>)
        %dma_wait3A = arith.constant 9984 : i32
        %dma_wait3A_24 = arith.constant 0 : i32
        %dma_wait3A_25 = tpu.memref_slice %arg10[%dma_wait3A, %dma_wait3A_24] : memref<10000x128xf32, #tpu.memory_space<vmem_shared>> -> memref<16x128xf32, #tpu.memory_space<vmem_shared>>
        %dma_wait3A_26 = arith.constant 9984 : i32
        %dma_wait3A_27 = arith.constant 0 : i32
        %dma_wait3A_28 = tpu.memref_slice %arg5[%dma_wait3A_26, %dma_wait3A_27] : memref<10000x128xf32, #tpu.memory_space<hbm>> -> memref<16x128xf32, #tpu.memory_space<hbm>>
        tpu.wait_dma2 semaphore(%run_scoped3A : memref<!tpu.dma_semaphore, #tpu.memory_space<semaphore_mem>>) src(%dma_wait3A_28 : memref<16x128xf32, #tpu.memory_space<hbm>>) dst(%dma_wait3A_25 : memref<16x128xf32, #tpu.memory_space<vmem_shared>>)
        tpu.yield
      }) : () -> ()
    } else {
    }
    %barrier3A = arith.constant 0 : index
    tpu.barrier barrier_id(%barrier3A)
    %scan3A = arith.constant 0 : i32
    %scan3A_7 = arith.constant 0 : i32
    %scan3A_8 = arith.constant 125 : i32
    %scan3A_9 = arith.addi %scan3A_7, %scan3A_8 : i32
    %scan3A_10 = arith.constant 1 : i32
    %scan3A_11 = scf.for %scan3A_19 = %scan3A_7 to %scan3A_9 step %scan3A_10 iter_args(%scan3A_20 = %scan3A) -> (i32)  : i32 {
      %mul3A_21 = arith.constant 80 : i32
      %mul3A_22 = arith.muli %scan3A_19, %mul3A_21 : i32
      %add3A_23 = arith.addi %mul3A_2, %mul3A_22 : i32
      "tpu.region"() ({
        %run_scoped3A = tpu.sem_alloc : memref<!tpu.dma_semaphore, #tpu.memory_space<semaphore_mem>>
        %dma_start3A_33 = tpu.memref_slice %arg4[%add3A_23] : memref<320000xi32, #tpu.memory_space<hbm>> -> memref<80xi32, #tpu.memory_space<hbm>>
        %dma_start3A_34 = tpu.memref_slice %arg4[%add3A_23] : memref<320000xi32, #tpu.memory_space<hbm>> -> memref<80xi32, #tpu.memory_space<hbm>>
        tpu.enqueue_dma source(%dma_start3A_34 : memref<80xi32, #tpu.memory_space<hbm>>) target(%arg8 : memref<80xi32, #tpu.memory_space<vmem>>) target_semaphore(%run_scoped3A : memref<!tpu.dma_semaphore, #tpu.memory_space<semaphore_mem>>)
        %dma_wait3A_35 = tpu.memref_slice %arg4[%add3A_23] : memref<320000xi32, #tpu.memory_space<hbm>> -> memref<80xi32, #tpu.memory_space<hbm>>
        %dma_wait3A_36 = tpu.memref_slice %arg4[%add3A_23] : memref<320000xi32, #tpu.memory_space<hbm>> -> memref<80xi32, #tpu.memory_space<hbm>>
        tpu.wait_dma2 semaphore(%run_scoped3A : memref<!tpu.dma_semaphore, #tpu.memory_space<semaphore_mem>>) src(%dma_wait3A_36 : memref<80xi32, #tpu.memory_space<hbm>>) dst(%arg8 : memref<80xi32, #tpu.memory_space<vmem>>)
        tpu.yield
      }) : () -> ()
      %mul3A_24 = arith.constant 80 : i32
      %mul3A_25 = arith.muli %scan3A_19, %mul3A_24 : i32
      %dma_start3A = tpu.memref_slice %arg7[%mul3A_25] : memref<10000xi32, #tpu.memory_space<vmem>> -> memref<80xi32, #tpu.memory_space<vmem>>
      %dma_start3A_26 = arith.constant 0 : i32
      %dma_start3A_27 = arith.constant 0 : i32
      %dma_start3A_28 = tpu.memref_slice %arg2[%dma_start3A_26, %dma_start3A_27] : memref<10000x128xf32, #tpu.memory_space<hbm>> -> memref<10000x128xf32, #tpu.memory_space<hbm>>
      tpu.enqueue_indirect_dma source(%dma_start3A_28 : memref<10000x128xf32, #tpu.memory_space<hbm>>) target(%arg9 : memref<80x128xf32, #tpu.memory_space<vmem>>) offsets(%dma_start3A : memref<80xi32, #tpu.memory_space<vmem>>) semaphore(%arg11 : memref<!tpu.dma_semaphore, #tpu.memory_space<semaphore_mem>>)
      %dma_wait3A = tpu.memref_slice %arg7[%mul3A_25] : memref<10000xi32, #tpu.memory_space<vmem>> -> memref<80xi32, #tpu.memory_space<vmem>>
      %dma_wait3A_29 = arith.constant 0 : i32
      %dma_wait3A_30 = arith.constant 0 : i32
      %dma_wait3A_31 = tpu.memref_slice %arg2[%dma_wait3A_29, %dma_wait3A_30] : memref<10000x128xf32, #tpu.memory_space<hbm>> -> memref<10000x128xf32, #tpu.memory_space<hbm>>
      tpu.wait_indirect_dma semaphore(%arg11 : memref<!tpu.dma_semaphore, #tpu.memory_space<semaphore_mem>>) src(%dma_wait3A_31 : memref<10000x128xf32, #tpu.memory_space<hbm>>) dst(%arg9 : memref<80x128xf32, #tpu.memory_space<vmem>>)
      "tpu.region"() ({
        %run_scoped3A = tpu.sem_alloc : memref<!tpu.dma_semaphore, #tpu.memory_space<semaphore_mem>>
        %dma_start3A_33 = arith.constant 0 : i32
        %dma_start3A_34 = arith.constant 0 : i32
        %dma_start3A_35 = tpu.memref_slice %arg10[%dma_start3A_33, %dma_start3A_34] : memref<10000x128xf32, #tpu.memory_space<vmem_shared>> -> memref<10000x128xf32, #tpu.memory_space<vmem_shared>>
        tpu.enqueue_indirect_dma source(%arg9 : memref<80x128xf32, #tpu.memory_space<vmem>>) target(%dma_start3A_35 : memref<10000x128xf32, #tpu.memory_space<vmem_shared>>) offsets(%arg8 : memref<80xi32, #tpu.memory_space<vmem>>) semaphore(%run_scoped3A : memref<!tpu.dma_semaphore, #tpu.memory_space<semaphore_mem>>) {add = true}
        %dma_wait3A_36 = arith.constant 0 : i32
        %dma_wait3A_37 = arith.constant 0 : i32
        %dma_wait3A_38 = tpu.memref_slice %arg10[%dma_wait3A_36, %dma_wait3A_37] : memref<10000x128xf32, #tpu.memory_space<vmem_shared>> -> memref<10000x128xf32, #tpu.memory_space<vmem_shared>>
        tpu.wait_indirect_dma semaphore(%run_scoped3A : memref<!tpu.dma_semaphore, #tpu.memory_space<semaphore_mem>>) src(%arg9 : memref<80x128xf32, #tpu.memory_space<vmem>>) dst(%dma_wait3A_38 : memref<10000x128xf32, #tpu.memory_space<vmem_shared>>)
        tpu.yield
      }) : () -> ()
      %scan3A_32 = arith.constant 0 : i32
      scf.yield %scan3A_32 : i32
    }
    %scan3A_12 = arith.constant 125 : i32
    %barrier3A_13 = arith.constant 0 : index
    tpu.barrier barrier_id(%barrier3A_13)
    "tpu.region"() ({
      %run_scoped3A = tpu.sem_alloc : memref<!tpu.dma_semaphore, #tpu.memory_space<semaphore_mem>>
      %dma_start3A = arith.constant 0 : i32
      %dma_start3A_19 = tpu.memref_slice %arg6[%arg0, %mul3A_4, %dma_start3A] : memref<2x10000x128xf32, #tpu.memory_space<hbm>> -> memref<1x624x128xf32, #tpu.memory_space<hbm>>
      %dma_start3A_20 = tpu.memref_squeeze %dma_start3A_19 : memref<1x624x128xf32, #tpu.memory_space<hbm>> -> memref<624x128xf32, #tpu.memory_space<hbm>>
      %dma_start3A_21 = arith.constant 0 : i32
      %dma_start3A_22 = tpu.memref_slice %arg10[%mul3A_4, %dma_start3A_21] : memref<10000x128xf32, #tpu.memory_space<vmem_shared>> -> memref<624x128xf32, #tpu.memory_space<vmem_shared>>
      tpu.enqueue_dma source(%dma_start3A_22 : memref<624x128xf32, #tpu.memory_space<vmem_shared>>) target(%dma_start3A_20 : memref<624x128xf32, #tpu.memory_space<hbm>>) target_semaphore(%run_scoped3A : memref<!tpu.dma_semaphore, #tpu.memory_space<semaphore_mem>>)
      %dma_wait3A = arith.constant 0 : i32
      %dma_wait3A_23 = tpu.memref_slice %arg6[%arg0, %mul3A_4, %dma_wait3A] : memref<2x10000x128xf32, #tpu.memory_space<hbm>> -> memref<1x624x128xf32, #tpu.memory_space<hbm>>
      %dma_wait3A_24 = tpu.memref_squeeze %dma_wait3A_23 : memref<1x624x128xf32, #tpu.memory_space<hbm>> -> memref<624x128xf32, #tpu.memory_space<hbm>>
      %dma_wait3A_25 = arith.constant 0 : i32
      %dma_wait3A_26 = tpu.memref_slice %arg10[%mul3A_4, %dma_wait3A_25] : memref<10000x128xf32, #tpu.memory_space<vmem_shared>> -> memref<624x128xf32, #tpu.memory_space<vmem_shared>>
      tpu.wait_dma2 semaphore(%run_scoped3A : memref<!tpu.dma_semaphore, #tpu.memory_space<semaphore_mem>>) src(%dma_wait3A_26 : memref<624x128xf32, #tpu.memory_space<vmem_shared>>) dst(%dma_wait3A_24 : memref<624x128xf32, #tpu.memory_space<hbm>>)
      tpu.yield
    }) : () -> ()
    %eq3A_14 = arith.constant 15 : i32
    %eq3A_15 = arith.cmpi eq, %arg1, %eq3A_14 : i32
    %convert_element_type3A_16 = arith.extui %eq3A_15 : i1 to i32
    %cond3A_17 = arith.constant 0 : i32
    %cond3A_18 = arith.cmpi ne, %convert_element_type3A_16, %cond3A_17 : i32
    scf.if %cond3A_18 {
      "tpu.region"() ({
        %run_scoped3A = tpu.sem_alloc : memref<!tpu.dma_semaphore, #tpu.memory_space<semaphore_mem>>
        %dma_start3A = arith.constant 9984 : i32
        %dma_start3A_19 = arith.constant 0 : i32
        %dma_start3A_20 = tpu.memref_slice %arg6[%arg0, %dma_start3A, %dma_start3A_19] : memref<2x10000x128xf32, #tpu.memory_space<hbm>> -> memref<1x16x128xf32, #tpu.memory_space<hbm>>
        %dma_start3A_21 = tpu.memref_squeeze %dma_start3A_20 : memref<1x16x128xf32, #tpu.memory_space<hbm>> -> memref<16x128xf32, #tpu.memory_space<hbm>>
        %dma_start3A_22 = arith.constant 9984 : i32
        %dma_start3A_23 = arith.constant 0 : i32
        %dma_start3A_24 = tpu.memref_slice %arg10[%dma_start3A_22, %dma_start3A_23] : memref<10000x128xf32, #tpu.memory_space<vmem_shared>> -> memref<16x128xf32, #tpu.memory_space<vmem_shared>>
        tpu.enqueue_dma source(%dma_start3A_24 : memref<16x128xf32, #tpu.memory_space<vmem_shared>>) target(%dma_start3A_21 : memref<16x128xf32, #tpu.memory_space<hbm>>) target_semaphore(%run_scoped3A : memref<!tpu.dma_semaphore, #tpu.memory_space<semaphore_mem>>)
        %dma_wait3A = arith.constant 9984 : i32
        %dma_wait3A_25 = arith.constant 0 : i32
        %dma_wait3A_26 = tpu.memref_slice %arg6[%arg0, %dma_wait3A, %dma_wait3A_25] : memref<2x10000x128xf32, #tpu.memory_space<hbm>> -> memref<1x16x128xf32, #tpu.memory_space<hbm>>
        %dma_wait3A_27 = tpu.memref_squeeze %dma_wait3A_26 : memref<1x16x128xf32, #tpu.memory_space<hbm>> -> memref<16x128xf32, #tpu.memory_space<hbm>>
        %dma_wait3A_28 = arith.constant 9984 : i32
        %dma_wait3A_29 = arith.constant 0 : i32
        %dma_wait3A_30 = tpu.memref_slice %arg10[%dma_wait3A_28, %dma_wait3A_29] : memref<10000x128xf32, #tpu.memory_space<vmem_shared>> -> memref<16x128xf32, #tpu.memory_space<vmem_shared>>
        tpu.wait_dma2 semaphore(%run_scoped3A : memref<!tpu.dma_semaphore, #tpu.memory_space<semaphore_mem>>) src(%dma_wait3A_30 : memref<16x128xf32, #tpu.memory_space<vmem_shared>>) dst(%dma_wait3A_27 : memref<16x128xf32, #tpu.memory_space<hbm>>)
        tpu.yield
      }) : () -> ()
    } else {
    }
    return
  }
}

module attributes {stable_mosaic.version = 14 : i64} {
  func.func @_tc_dinv_body(%arg0: memref<32x10000xf32, #tpu.memory_space<vmem>>, %arg1: memref<10000x1xf32, #tpu.memory_space<vmem>>) attributes {dimension_semantics = [], scalar_prefetch = 0 : i64, scratch_operands = 0 : i64, tpu.core_type = #tpu.core_type<tc>} {
    %get3A = arith.constant 0 : index
    %get3A_0 = arith.constant 0 : index
    %get3A_1 = vector.load %arg0[%get3A, %get3A_0] : memref<32x10000xf32, #tpu.memory_space<vmem>>, vector<32x10000xf32>
    %reduce_sum3A = arith.constant dense<0.000000e+00> : vector<10000xf32>
    %reduce_sum3A_2 = vector.multi_reduction <add>, %get3A_1, %reduce_sum3A [0] : vector<32x10000xf32> to vector<10000xf32>
    %add3A = arith.constant 1.000000e+00 : f32
    %add3A_3 = vector.broadcast %add3A : f32 to vector<10000xf32>
    %add3A_4 = arith.addf %reduce_sum3A_2, %add3A_3 : vector<10000xf32>
    %rsqrt3A = math.rsqrt %add3A_4 : vector<10000xf32>
    %reshape3A = vector.shape_cast %rsqrt3A : vector<10000xf32> to vector<10000x1xf32>
    %swap3A = arith.constant 0 : index
    %swap3A_5 = arith.constant 0 : index
    %swap3A_6 = vector.load %arg1[%swap3A, %swap3A_5] : memref<10000x1xf32, #tpu.memory_space<vmem>>, vector<10000x1xf32>
    tpu.vector_store %arg1[%swap3A, %swap3A_5], %reshape3A {strides = array<i32>} : memref<10000x1xf32, #tpu.memory_space<vmem>>, vector<10000x1xf32>,
    return
  }
}

module attributes {stable_mosaic.version = 14 : i64} {
  func.func @_tc_a_body(%arg0: i32, %arg1: memref<1000x128xf32, #tpu.memory_space<vmem>>, %arg2: memref<1000x1xf32, #tpu.memory_space<vmem>>, %arg3: memref<128x128xf32, #tpu.memory_space<vmem>>, %arg4: memref<1000x128xf32, #tpu.memory_space<vmem>>, %arg5: memref<1000x128xf32, #tpu.memory_space<vmem>>) attributes {dimension_semantics = [#tpu.dimension_semantics<arbitrary>], iteration_bounds = array<i64: 10>, scalar_prefetch = 0 : i64, scratch_operands = 0 : i64, tpu.core_type = #tpu.core_type<tc>, window_params = [{transform_indices = @transform_0, window_bounds = array<i64: 1000, 128>}, {transform_indices = @transform_1, window_bounds = array<i64: 1000, 1>}, {pipeline_mode = #tpu.pipeline_mode<synchronous>, transform_indices = @transform_2, window_bounds = array<i64: 128, 128>}, {transform_indices = @transform_3, window_bounds = array<i64: 1000, 128>}, {transform_indices = @transform_4, window_bounds = array<i64: 1000, 128>}]} {
    %get3A = arith.constant 0 : index
    %get3A_0 = arith.constant 0 : index
    %get3A_1 = vector.load %arg2[%get3A, %get3A_0] : memref<1000x1xf32, #tpu.memory_space<vmem>>, vector<1000x1xf32>
    %get3A_2 = arith.constant 0 : index
    %get3A_3 = arith.constant 0 : index
    %get3A_4 = vector.load %arg1[%get3A_2, %get3A_3] : memref<1000x128xf32, #tpu.memory_space<vmem>>, vector<1000x128xf32>
    %get3A_5 = arith.constant 0 : index
    %get3A_6 = arith.constant 0 : index
    %get3A_7 = vector.load %arg3[%get3A_5, %get3A_6] : memref<128x128xf32, #tpu.memory_space<vmem>>, vector<128x128xf32>
    %dot_general3A = arith.constant dense<0.000000e+00> : vector<1000x128xf32>
    %dot_general3A_8 = tpu.matmul %get3A_4, %get3A_7, %dot_general3A {dimension_numbers = #tpu.dot_dimension_numbers<[1], [0], [0], [1], [0, 0, 1, 1], [], []>, transpose_lhs_hint = false} : vector<1000x128xf32>, vector<128x128xf32>, vector<1000x128xf32> -> vector<1000x128xf32>
    %swap3A = arith.constant 0 : index
    %swap3A_9 = arith.constant 0 : index
    %swap3A_10 = vector.load %arg4[%swap3A, %swap3A_9] : memref<1000x128xf32, #tpu.memory_space<vmem>>, vector<1000x128xf32>
    tpu.vector_store %arg4[%swap3A, %swap3A_9], %dot_general3A_8 {strides = array<i32>} : memref<1000x128xf32, #tpu.memory_space<vmem>>, vector<1000x128xf32>,
    %mul3A = vector.broadcast %get3A_1 : vector<1000x1xf32> to vector<1000x128xf32>
    %mul3A_11 = arith.mulf %dot_general3A_8, %mul3A : vector<1000x128xf32>
    %swap3A_12 = arith.constant 0 : index
    %swap3A_13 = arith.constant 0 : index
    %swap3A_14 = vector.load %arg5[%swap3A_12, %swap3A_13] : memref<1000x128xf32, #tpu.memory_space<vmem>>, vector<1000x128xf32>
    tpu.vector_store %arg5[%swap3A_12, %swap3A_13], %mul3A_11 {strides = array<i32>} : memref<1000x128xf32, #tpu.memory_space<vmem>>, vector<1000x128xf32>,
    return
  }
  func.func @transform_0(%arg0: i32) -> (i32, i32) {
    %c0_i32 = arith.constant 0 : i32
    %c0_i32_0 = arith.constant 0 : i32
    return %arg0, %c0_i32 : i32, i32
  }
  func.func @transform_1(%arg0: i32) -> (i32, i32) {
    %c0_i32 = arith.constant 0 : i32
    %c0_i32_0 = arith.constant 0 : i32
    return %arg0, %c0_i32 : i32, i32
  }
  func.func @transform_2(%arg0: i32) -> (i32, i32) {
    %c0_i32 = arith.constant 0 : i32
    %c0_i32_0 = arith.constant 0 : i32
    %c0_i32_1 = arith.constant 0 : i32
    return %c0_i32, %c0_i32_0 : i32, i32
  }
  func.func @transform_3(%arg0: i32) -> (i32, i32) {
    %c0_i32 = arith.constant 0 : i32
    %c0_i32_0 = arith.constant 0 : i32
    return %arg0, %c0_i32 : i32, i32
  }
  func.func @transform_4(%arg0: i32) -> (i32, i32) {
    %c0_i32 = arith.constant 0 : i32
    %c0_i32_0 = arith.constant 0 : i32
    return %arg0, %c0_i32 : i32, i32
  }
}

module attributes {stable_mosaic.version = 14 : i64} {
  func.func @_tc_b_body(%arg0: i32, %arg1: memref<2x1000x128xf32, #tpu.memory_space<vmem>>, %arg2: memref<1000x1xf32, #tpu.memory_space<vmem>>, %arg3: memref<1000x128xf32, #tpu.memory_space<vmem>>, %arg4: memref<1x128xf32, #tpu.memory_space<vmem>>, %arg5: memref<128x128xf32, #tpu.memory_space<vmem>>, %arg6: memref<1000x128xf32, #tpu.memory_space<vmem>>, %arg7: memref<1000x128xf32, #tpu.memory_space<vmem>>) attributes {dimension_semantics = [#tpu.dimension_semantics<arbitrary>], iteration_bounds = array<i64: 10>, scalar_prefetch = 0 : i64, scratch_operands = 0 : i64, tpu.core_type = #tpu.core_type<tc>, window_params = [{transform_indices = @transform_0, window_bounds = array<i64: 2, 1000, 128>}, {transform_indices = @transform_1, window_bounds = array<i64: 1000, 1>}, {transform_indices = @transform_2, window_bounds = array<i64: 1000, 128>}, {pipeline_mode = #tpu.pipeline_mode<synchronous>, transform_indices = @transform_3, window_bounds = array<i64: 1, 128>}, {pipeline_mode = #tpu.pipeline_mode<synchronous>, transform_indices = @transform_4, window_bounds = array<i64: 128, 128>}, {transform_indices = @transform_5, window_bounds = array<i64: 1000, 128>}, {transform_indices = @transform_6, window_bounds = array<i64: 1000, 128>}]} {
    %get3A = arith.constant 0 : index
    %get3A_0 = arith.constant 0 : index
    %get3A_1 = vector.load %arg2[%get3A, %get3A_0] : memref<1000x1xf32, #tpu.memory_space<vmem>>, vector<1000x1xf32>
    %get3A_2 = arith.constant 0 : index
    %get3A_3 = arith.constant 0 : index
    %get3A_4 = arith.constant 0 : index
    %get3A_5 = vector.load %arg1[%get3A_2, %get3A_3, %get3A_4] : memref<2x1000x128xf32, #tpu.memory_space<vmem>>, vector<1x1000x128xf32>
    %get3A_6 = vector.shape_cast %get3A_5 : vector<1x1000x128xf32> to vector<1000x128xf32>
    %get3A_7 = arith.constant 1 : index
    %get3A_8 = arith.constant 0 : index
    %get3A_9 = arith.constant 0 : index
    %get3A_10 = vector.load %arg1[%get3A_7, %get3A_8, %get3A_9] : memref<2x1000x128xf32, #tpu.memory_space<vmem>>, vector<1x1000x128xf32>
    %get3A_11 = vector.shape_cast %get3A_10 : vector<1x1000x128xf32> to vector<1000x128xf32>
    %add3A = arith.addf %get3A_6, %get3A_11 : vector<1000x128xf32>
    %mul3A = vector.broadcast %get3A_1 : vector<1000x1xf32> to vector<1000x128xf32>
    %mul3A_12 = arith.mulf %add3A, %mul3A : vector<1000x128xf32>
    %get3A_13 = arith.constant 0 : index
    %get3A_14 = arith.constant 0 : index
    %get3A_15 = vector.load %arg3[%get3A_13, %get3A_14] : memref<1000x128xf32, #tpu.memory_space<vmem>>, vector<1000x128xf32>
    %mul3A_16 = arith.mulf %get3A_1, %get3A_1 : vector<1000x1xf32>
    %mul3A_17 = vector.broadcast %mul3A_16 : vector<1000x1xf32> to vector<1000x128xf32>
    %mul3A_18 = arith.mulf %get3A_15, %mul3A_17 : vector<1000x128xf32>
    %add3A_19 = arith.addf %mul3A_12, %mul3A_18 : vector<1000x128xf32>
    %get3A_20 = arith.constant 0 : index
    %get3A_21 = arith.constant 0 : index
    %get3A_22 = vector.load %arg4[%get3A_20, %get3A_21] : memref<1x128xf32, #tpu.memory_space<vmem>>, vector<1x128xf32>
    %add3A_23 = vector.broadcast %get3A_22 : vector<1x128xf32> to vector<1000x128xf32>
    %add3A_24 = arith.addf %add3A_19, %add3A_23 : vector<1000x128xf32>
    %max3A = arith.constant 0.000000e+00 : f32
    %max3A_25 = vector.broadcast %max3A : f32 to vector<1000x128xf32>
    %max3A_26 = arith.maximumf %add3A_24, %max3A_25 : vector<1000x128xf32>
    %get3A_27 = arith.constant 0 : index
    %get3A_28 = arith.constant 0 : index
    %get3A_29 = vector.load %arg5[%get3A_27, %get3A_28] : memref<128x128xf32, #tpu.memory_space<vmem>>, vector<128x128xf32>
    %dot_general3A = arith.constant dense<0.000000e+00> : vector<1000x128xf32>
    %dot_general3A_30 = tpu.matmul %max3A_26, %get3A_29, %dot_general3A {dimension_numbers = #tpu.dot_dimension_numbers<[1], [0], [0], [1], [0, 0, 1, 1], [], []>, transpose_lhs_hint = false} : vector<1000x128xf32>, vector<128x128xf32>, vector<1000x128xf32> -> vector<1000x128xf32>
    %swap3A = arith.constant 0 : index
    %swap3A_31 = arith.constant 0 : index
    %swap3A_32 = vector.load %arg6[%swap3A, %swap3A_31] : memref<1000x128xf32, #tpu.memory_space<vmem>>, vector<1000x128xf32>
    tpu.vector_store %arg6[%swap3A, %swap3A_31], %dot_general3A_30 {strides = array<i32>} : memref<1000x128xf32, #tpu.memory_space<vmem>>, vector<1000x128xf32>,
    %mul3A_33 = vector.broadcast %get3A_1 : vector<1000x1xf32> to vector<1000x128xf32>
    %mul3A_34 = arith.mulf %dot_general3A_30, %mul3A_33 : vector<1000x128xf32>
    %swap3A_35 = arith.constant 0 : index
    %swap3A_36 = arith.constant 0 : index
    %swap3A_37 = vector.load %arg7[%swap3A_35, %swap3A_36] : memref<1000x128xf32, #tpu.memory_space<vmem>>, vector<1000x128xf32>
    tpu.vector_store %arg7[%swap3A_35, %swap3A_36], %mul3A_34 {strides = array<i32>} : memref<1000x128xf32, #tpu.memory_space<vmem>>, vector<1000x128xf32>,
    return
  }
  func.func @transform_0(%arg0: i32) -> (i32, i32, i32) {
    %c0_i32 = arith.constant 0 : i32
    %c0_i32_0 = arith.constant 0 : i32
    %c0_i32_1 = arith.constant 0 : i32
    return %c0_i32, %arg0, %c0_i32_0 : i32, i32, i32
  }
  func.func @transform_1(%arg0: i32) -> (i32, i32) {
    %c0_i32 = arith.constant 0 : i32
    %c0_i32_0 = arith.constant 0 : i32
    return %arg0, %c0_i32 : i32, i32
  }
  func.func @transform_2(%arg0: i32) -> (i32, i32) {
    %c0_i32 = arith.constant 0 : i32
    %c0_i32_0 = arith.constant 0 : i32
    return %arg0, %c0_i32 : i32, i32
  }
  func.func @transform_3(%arg0: i32) -> (i32, i32) {
    %c0_i32 = arith.constant 0 : i32
    %c0_i32_0 = arith.constant 0 : i32
    %c0_i32_1 = arith.constant 0 : i32
    return %c0_i32, %c0_i32_0 : i32, i32
  }
  func.func @transform_4(%arg0: i32) -> (i32, i32) {
    %c0_i32 = arith.constant 0 : i32
    %c0_i32_0 = arith.constant 0 : i32
    %c0_i32_1 = arith.constant 0 : i32
    return %c0_i32, %c0_i32_0 : i32, i32
  }
  func.func @transform_5(%arg0: i32) -> (i32, i32) {
    %c0_i32 = arith.constant 0 : i32
    %c0_i32_0 = arith.constant 0 : i32
    return %arg0, %c0_i32 : i32, i32
  }
  func.func @transform_6(%arg0: i32) -> (i32, i32) {
    %c0_i32 = arith.constant 0 : i32
    %c0_i32_0 = arith.constant 0 : i32
    return %arg0, %c0_i32 : i32, i32
  }
}

module attributes {stable_mosaic.version = 14 : i64} {
  func.func @_tc_c_body(%arg0: i32, %arg1: memref<2x1000x128xf32, #tpu.memory_space<vmem>>, %arg2: memref<1000x1xf32, #tpu.memory_space<vmem>>, %arg3: memref<1000x128xf32, #tpu.memory_space<vmem>>, %arg4: memref<1x128xf32, #tpu.memory_space<vmem>>, %arg5: memref<1000x128xf32, #tpu.memory_space<vmem>>, %arg6: memref<1000x128xf32, #tpu.memory_space<vmem>>) attributes {dimension_semantics = [#tpu.dimension_semantics<arbitrary>], iteration_bounds = array<i64: 10>, scalar_prefetch = 0 : i64, scratch_operands = 0 : i64, tpu.core_type = #tpu.core_type<tc>, window_params = [{transform_indices = @transform_0, window_bounds = array<i64: 2, 1000, 128>}, {transform_indices = @transform_1, window_bounds = array<i64: 1000, 1>}, {transform_indices = @transform_2, window_bounds = array<i64: 1000, 128>}, {pipeline_mode = #tpu.pipeline_mode<synchronous>, transform_indices = @transform_3, window_bounds = array<i64: 1, 128>}, {transform_indices = @transform_4, window_bounds = array<i64: 1000, 128>}, {transform_indices = @transform_5, window_bounds = array<i64: 1000, 128>}]} {
    %get3A = arith.constant 0 : index
    %get3A_0 = arith.constant 0 : index
    %get3A_1 = vector.load %arg2[%get3A, %get3A_0] : memref<1000x1xf32, #tpu.memory_space<vmem>>, vector<1000x1xf32>
    %get3A_2 = arith.constant 0 : index
    %get3A_3 = arith.constant 0 : index
    %get3A_4 = arith.constant 0 : index
    %get3A_5 = vector.load %arg1[%get3A_2, %get3A_3, %get3A_4] : memref<2x1000x128xf32, #tpu.memory_space<vmem>>, vector<1x1000x128xf32>
    %get3A_6 = vector.shape_cast %get3A_5 : vector<1x1000x128xf32> to vector<1000x128xf32>
    %get3A_7 = arith.constant 1 : index
    %get3A_8 = arith.constant 0 : index
    %get3A_9 = arith.constant 0 : index
    %get3A_10 = vector.load %arg1[%get3A_7, %get3A_8, %get3A_9] : memref<2x1000x128xf32, #tpu.memory_space<vmem>>, vector<1x1000x128xf32>
    %get3A_11 = vector.shape_cast %get3A_10 : vector<1x1000x128xf32> to vector<1000x128xf32>
    %add3A = arith.addf %get3A_6, %get3A_11 : vector<1000x128xf32>
    %mul3A = vector.broadcast %get3A_1 : vector<1000x1xf32> to vector<1000x128xf32>
    %mul3A_12 = arith.mulf %add3A, %mul3A : vector<1000x128xf32>
    %get3A_13 = arith.constant 0 : index
    %get3A_14 = arith.constant 0 : index
    %get3A_15 = vector.load %arg3[%get3A_13, %get3A_14] : memref<1000x128xf32, #tpu.memory_space<vmem>>, vector<1000x128xf32>
    %mul3A_16 = arith.mulf %get3A_1, %get3A_1 : vector<1000x1xf32>
    %mul3A_17 = vector.broadcast %mul3A_16 : vector<1000x1xf32> to vector<1000x128xf32>
    %mul3A_18 = arith.mulf %get3A_15, %mul3A_17 : vector<1000x128xf32>
    %add3A_19 = arith.addf %mul3A_12, %mul3A_18 : vector<1000x128xf32>
    %get3A_20 = arith.constant 0 : index
    %get3A_21 = arith.constant 0 : index
    %get3A_22 = vector.load %arg4[%get3A_20, %get3A_21] : memref<1x128xf32, #tpu.memory_space<vmem>>, vector<1x128xf32>
    %add3A_23 = vector.broadcast %get3A_22 : vector<1x128xf32> to vector<1000x128xf32>
    %add3A_24 = arith.addf %add3A_19, %add3A_23 : vector<1000x128xf32>
    %swap3A = arith.constant 0 : index
    %swap3A_25 = arith.constant 0 : index
    %swap3A_26 = vector.load %arg5[%swap3A, %swap3A_25] : memref<1000x128xf32, #tpu.memory_space<vmem>>, vector<1000x128xf32>
    tpu.vector_store %arg5[%swap3A, %swap3A_25], %add3A_24 {strides = array<i32>} : memref<1000x128xf32, #tpu.memory_space<vmem>>, vector<1000x128xf32>,
    %reduce_max3A = arith.constant dense<0xFF800000> : vector<1000xf32>
    %reduce_max3A_27 = vector.multi_reduction <maximumf>, %add3A_24, %reduce_max3A [1] : vector<1000x128xf32> to vector<1000xf32>
    %broadcast_in_dim3A = vector.shape_cast %reduce_max3A_27 : vector<1000xf32> to vector<1000x1xf32>
    %sub3A = vector.broadcast %broadcast_in_dim3A : vector<1000x1xf32> to vector<1000x128xf32>
    %sub3A_28 = arith.subf %add3A_24, %sub3A : vector<1000x128xf32>
    %exp3A = math.exp %sub3A_28 : vector<1000x128xf32>
    %reduce_sum3A = arith.constant dense<0.000000e+00> : vector<1000xf32>
    %reduce_sum3A_29 = vector.multi_reduction <add>, %exp3A, %reduce_sum3A [1] : vector<1000x128xf32> to vector<1000xf32>
    %broadcast_in_dim3A_30 = vector.shape_cast %reduce_sum3A_29 : vector<1000xf32> to vector<1000x1xf32>
    %log3A = math.log %broadcast_in_dim3A_30 : vector<1000x1xf32>
    %add3A_31 = arith.addf %log3A, %broadcast_in_dim3A : vector<1000x1xf32>
    %sub3A_32 = vector.broadcast %add3A_31 : vector<1000x1xf32> to vector<1000x128xf32>
    %sub3A_33 = arith.subf %add3A_24, %sub3A_32 : vector<1000x128xf32>
    %swap3A_34 = arith.constant 0 : index
    %swap3A_35 = arith.constant 0 : index
    %swap3A_36 = vector.load %arg6[%swap3A_34, %swap3A_35] : memref<1000x128xf32, #tpu.memory_space<vmem>>, vector<1000x128xf32>
    tpu.vector_store %arg6[%swap3A_34, %swap3A_35], %sub3A_33 {strides = array<i32>} : memref<1000x128xf32, #tpu.memory_space<vmem>>, vector<1000x128xf32>,
    return
  }
  func.func @transform_0(%arg0: i32) -> (i32, i32, i32) {
    %c0_i32 = arith.constant 0 : i32
    %c0_i32_0 = arith.constant 0 : i32
    %c0_i32_1 = arith.constant 0 : i32
    return %c0_i32, %arg0, %c0_i32_0 : i32, i32, i32
  }
  func.func @transform_1(%arg0: i32) -> (i32, i32) {
    %c0_i32 = arith.constant 0 : i32
    %c0_i32_0 = arith.constant 0 : i32
    return %arg0, %c0_i32 : i32, i32
  }
  func.func @transform_2(%arg0: i32) -> (i32, i32) {
    %c0_i32 = arith.constant 0 : i32
    %c0_i32_0 = arith.constant 0 : i32
    return %arg0, %c0_i32 : i32, i32
  }
  func.func @transform_3(%arg0: i32) -> (i32, i32) {
    %c0_i32 = arith.constant 0 : i32
    %c0_i32_0 = arith.constant 0 : i32
    %c0_i32_1 = arith.constant 0 : i32
    return %c0_i32, %c0_i32_0 : i32, i32
  }
  func.func @transform_4(%arg0: i32) -> (i32, i32) {
    %c0_i32 = arith.constant 0 : i32
    %c0_i32_0 = arith.constant 0 : i32
    return %arg0, %c0_i32 : i32, i32
  }
  func.func @transform_5(%arg0: i32) -> (i32, i32) {
    %c0_i32 = arith.constant 0 : i32
    %c0_i32_0 = arith.constant 0 : i32
    return %arg0, %c0_i32 : i32, i32
  }
}

</mosaic_0001>

<sc_bundles>
// kernel: kernel.12.cloned.1.call-start
scs
__scs_entry_jumppad:
0x0: {  	(pc) =	sbr.rel $0x88, $3  }
0x1: {  	(tag) =	ssettag $0x0;
	lr =	simm.s32 $0x1  }
0x2: {  	[smem:$0x3F9B] =	sst lr;
	_ =	strace $0xD0000000  }
0x3: {  	_ = 	snop  }
0x4: {  	_ = 	snop  }
0x5: {  	_ = 	snop  }
0x6: {  	_ = 	snop  }
0x7: {  	_ = 	snop  }
__scs_overlays_trampoline_lowered:
0x8: {  	[smem:$0x3FAA] =	sst s0  }
0x9: {  	[smem:$0x3FAB] =	sst s1  }
0xa: {  	[smem:$0x3FAC] =	sst s2  }
0xb: {  	[smem:$0x3FAD] =	sst s3  }
0xc: {  	[smem:$0x3FAE] =	sst s4  }
0xd: {  	[smem:$0x3FAF] =	sst s5  }
0xe: {  	[smem:$0x3FB0] =	sst s6  }
0xf: {  	[smem:$0x3FB1] =	sst s7  }
0x10: {  	[smem:$0x3FB2] =	sst s8  }
0x11: {  	[smem:$0x3FB3] =	sst s9;
	s0 =	simm.s32 @!p0 $0x0  }
0x12: {  	s1 =	sld [smem:$0x3F99];
	s0 =	simm.s32 @p0 $0x1  }
0x13: {  	[smem:$0x3FB4] =	sst s0;
	s0 =	simm.s32 @!p1 $0x0  }
0x14: {  	s2 =	sld [smem:$0x3F98];
	s0 =	simm.s32 @p1 $0x1  }
0x15: {  	[smem:$0x3FB5] =	sst s0;
	s0 =	simm.s32 @!p2 $0x0  }
0x16: {  	s3 =	sld [smem:$0x3FDB];
	s0 =	simm.s32 @p2 $0x1  }
0x17: {  	s4 =	simm.s32 $0x1BF5;
	[smem:$0x3FB7] =	sst s0  }
0x18: {  	s0 =	sld [smem:$0x3F9A];
	_ =	swait.ge [sflag:s4], $0x0  }
0x19: {  	s7 =	sld [smem:$0x3F9B]  }
0x1a: {  	s8 =	sadd.s32 $0xFFFFE003, lr  }
0x1b: {  	s9 =	sadd.s32 $0xFFFFFEF7, lr;
	s5 =	simm.s32 $0xFFFFFFFF;
	p2 =	slt.u32 s8, $0xFFFFF086  }
0x1c: {  	p1 =	slt.u32 s9, $0xF7A;
	s5 =	simm.s32 @!p2 $0x0  }
0x1d: {  	s5 =	simm.s32 @p1 $0x1;
	p0 =	seq.s32 s7, s2  }
0x1e: {  	s7 =	smul.u32 @!p0 $0xF7A, s2;
	p2 =	seq.s32 @!p0 s5, $0x0  }
0x1f: {  	s9 =	smul.u32 $0xF7A, s1;
	s8 =	simm.s32 @!p0 $0x1BF5;
	p2 =	por !p2, p0  }
0x20: {  	[sflag:s8] =	ssyncset.s32 @!p0 $0xFFFFF086;
	s6 =	sadd.s32 @!p0 s3, s7;
	s7 =	simm.s32 @!p0 $0x108  }
0x21: {  	s3 =	sadd.s32 s3, s9;
	s6 =	sadd.s32 @!p0 $0x88, s6;
	s7 =	simm.s32 @p2 $0x1082  }
0x22: {  	[simem:s7], [sflag:s8] =	dma.local @!p0 [hbm:s6], $0xF7A  }
0x23: {  	s9 =	sor.u32 $0xD0000000, s2;
	s6 =	simm.s32 $0x108;
	_ =	swait.ge @!p0 [sflag:s8], $0x0  }
0x24: {  	s3 =	sadd.s32 $0x88, s3;
	s6 =	simm.s32 @!p1 $0x1082;
	[sflag:s4] =	ssyncset.s32 $0xFFFFF086  }
0x25: {  	[simem:s6], [sflag:s4] =	dma.local [hbm:s3], $0xF7A  }
0x26: {  	[smem:$0x3F9B] =	sst s1;
	(tag) =	ssettag s2;
	_ =	strace s9  }
0x27: {  	s1 =	sld [smem:$0x3FAB]  }
0x28: {  	s2 =	sld [smem:$0x3FAC]  }
0x29: {  	s4 =	sld [smem:$0x3FAE]  }
0x2a: {  	p0 =	seq.s32 s5, $0x0;
	s5 =	sld [smem:$0x3FAF]  }
0x2b: {  	s6 =	sld [smem:$0x3FB0]  }
0x2c: {  	s7 =	sld [smem:$0x3FB1]  }
0x2d: {  	s3 =	simm.s32 $0x108;
	s8 =	sld [smem:$0x3FB2]  }
0x2e: {  	s3 =	simm.s32 @!p0 $0x1082;
	s9 =	sld [smem:$0x3FB3]  }
0x2f: {  	lr =	sadd.s32 s0, s3;
	s0 =	sld [smem:$0x3FAA]  }
0x30: {  	s3 =	sld [smem:$0x3FAD]  }
0x31: {  	[smem:$0x3FB6] =	sst s10  }
0x32: {  	s10 =	sld [smem:$0x3FB4];
	_ =	sdelay $0x3  }
0x33: {  	p0 =	seq.s32 s10, $0x1;
	s10 =	sld [smem:$0x3FB6];
	_ =	sdelay $0x3  }
0x34: {  	[smem:$0x3FB6] =	sst s10  }
0x35: {  	s10 =	sld [smem:$0x3FB5];
	_ =	sdelay $0x3  }
0x36: {  	p1 =	seq.s32 s10, $0x1;
	s10 =	sld [smem:$0x3FB6];
	_ =	sdelay $0x3  }
0x37: {  	[smem:$0x3FB6] =	sst s10  }
0x38: {  	s10 =	sld [smem:$0x3FB7]  }
0x39: {  	_ = 	snop;
	(pc) =	sbr.ind lr, $3  }
0x3a: {  	_ = 	snop  }
0x3b: {  	_ = 	snop  }
0x3c: {  	p2 =	seq.s32 s10, $0x1;
	s10 =	sld [smem:$0x3FB6]  }
0x3d: {  	_ =	shalt  }
0x3e: {  	_ =	shalt  }
0x3f: {  	_ =	shalt  }
0x40: {  	_ =	shalt  }
0x41: {  	_ =	shalt  }
0x42: {  	_ =	shalt  }
0x43: {  	_ =	shalt  }
0x44: {  	_ =	shalt  }
0x45: {  	_ =	shalt  }
0x46: {  	_ =	shalt  }
0x47: {  	_ =	shalt  }
0x48: {  	_ =	shalt  }
0x49: {  	_ =	shalt  }
0x4a: {  	_ =	shalt  }
0x4b: {  	_ =	shalt  }
0x4c: {  	_ =	shalt  }
0x4d: {  	_ =	shalt  }
0x4e: {  	_ =	shalt  }
0x4f: {  	_ =	shalt  }
0x50: {  	_ =	shalt  }
0x51: {  	_ =	shalt  }
0x52: {  	_ =	shalt  }
0x53: {  	_ =	shalt  }
0x54: {  	_ =	shalt  }
0x55: {  	_ =	shalt  }
0x56: {  	_ =	shalt  }
0x57: {  	_ =	shalt  }
0x58: {  	_ =	shalt  }
0x59: {  	_ =	shalt  }
0x5a: {  	_ =	shalt  }
0x5b: {  	_ =	shalt  }
0x5c: {  	_ =	shalt  }
0x5d: {  	_ =	shalt  }
0x5e: {  	_ =	shalt  }
0x5f: {  	_ =	shalt  }
0x60: {  	_ =	shalt  }
0x61: {  	_ =	shalt  }
0x62: {  	_ =	shalt  }
0x63: {  	_ =	shalt  }
0x64: {  	_ =	shalt  }
0x65: {  	_ =	shalt  }
0x66: {  	_ =	shalt  }
0x67: {  	_ =	shalt  }
0x68: {  	_ =	shalt  }
0x69: {  	_ =	shalt  }
0x6a: {  	_ =	shalt  }
0x6b: {  	_ =	shalt  }
0x6c: {  	_ =	shalt  }
0x6d: {  	_ =	shalt  }
0x6e: {  	_ =	shalt  }
0x6f: {  	_ =	shalt  }
0x70: {  	_ =	shalt  }
0x71: {  	_ =	shalt  }
0x72: {  	_ =	shalt  }
0x73: {  	_ =	shalt  }
0x74: {  	_ =	shalt  }
0x75: {  	_ =	shalt  }
0x76: {  	_ =	shalt  }
0x77: {  	_ =	shalt  }
0x78: {  	_ =	shalt  }
0x79: {  	_ =	shalt  }
0x7a: {  	_ =	shalt  }
0x7b: {  	_ =	shalt  }
0x7c: {  	_ =	shalt  }
0x7d: {  	_ =	shalt  }
0x7e: {  	_ =	shalt  }
0x7f: {  	_ =	shalt  }
0x80: {  	_ =	shalt  }
0x81: {  	_ =	shalt  }
0x82: {  	_ =	shalt  }
0x83: {  	_ =	shalt  }
0x84: {  	_ =	shalt  }
0x85: {  	_ =	shalt  }
0x86: {  	_ =	shalt  }
0x87: {  	_ =	shalt  }
.Lfunc_end0:
.L_simem_size_0:
called_computation.1_lowered:
.L_overlay_start_0:
0x88: {  	s2 =	sld [smem:$0x3FD9]  }
0x89: {  	s3 =	sld [smem:$0x3FFE];
	_ =	sdelay $0x1  }
0x8a: {  	s1 =	srdreg.scid  }
0x8b: {  	s0 =	sand.u32 $0x1, s1  }
0x8c: {  	s14 =	sshll.u32 s0, $0xA;
	s2 =	sadd.s32 s3, s2  }
0x8d: {  	s2 =	sadd.s32 s2, s14  }
0x8e: {  	[smem:$0x3FC2] =	sst s2  }
0x8f: {  	_ = 	snop  }
0x90: {  	s2 =	sld [smem:$0x3FD0];
	_ =	sdelay $0x2  }
0x91: {  	s15 =	simm.s32 $0xA;
	s4 =	simm.s32 $0x10  }
0x92: {  	[smem:s4], [sflag:s15] =	dma.local [hbm:s2], $0x1  }
0x93: {  	_ =	swait.eq [sflag:s15], $0x1  }
0x94: {  	[sflag:s15] =	ssyncset.done $0x0  }
0x95: {  	s16 =	sld [smem:$0x10];
	[sflag:s15] =	ssyncadd.s32 $0xFFFFFFFF  }
0x96: {  	s17 =	sld [smem:$0x11];
	(tm) =	ssettm $0x1  }
0x97: {  	s18 =	sld [smem:$0x3FFB];
	_ =	sdelay $0x3  }
0x98: {  	_ =	strace s18  }
0x99: {  	s4 =	sld [smem:$0x3FFC];
	_ =	sdelay $0x3  }
0x9a: {  	_ =	strace s4  }
0x9b: {  	s4 =	sld [smem:$0x3FFD];
	_ =	sdelay $0x3  }
0x9c: {  	_ =	strace s4  }
0x9d: {  	_ =	strace $0x8FFFFFFF  }
0x9e: {  	s19 =	sld [smem:$0x3FDB];
	_ =	sdelay $0x1  }
0x9f: {  	s5 =	simm.s32 $_scs_section_size  }
0xa0: {  	s6 =	simm.s32 $_size__tile_overlayer_lowered;
	s7 =	simm.s32 $_tile_overlayer_lowered  }
0xa1: {  	s22 =	simm.s32 $0x1BFF;
	s21 =	sshll.u32 s7, $0x1;
	s4 =	sadd.s32 s5, s19  }
0xa2: {  	s8 =	simm.s32 $0x0;
	s20 =	sshll.u32 s6, $0x1;
	s6 =	sadd.s32 s21, s4  }
0xa3: {  	[timem:s8], [sflag:s22] =	dma.local [hbm:s6], s20  }
0xa4: {  	_ =	swait.ge [sflag:s22], s20  }
0xa5: {  	s5 =	ssub.s32 $0x0, s20;
	[sflag:s22] =	ssyncset.done $0x0  }
0xa6: {  	[sflag:s22] =	ssyncadd.s32 s5;
	_ =	sdelay $0x1  }
0xa7: {  	s23 =	simm.s32 $0x1B8B  }
0xa8: {  	_ =	swait.ge [sflag:s23], $0x1  }
0xa9: {  	[sflag:s23] =	ssyncset.done $0x0  }
0xaa: {  	s25 =	simm.s32 $0x1B8E;
	s24 =	sld [smem:$0x3FFE];
	[sflag:s23] =	ssyncadd.s32 $0xFFFFFFFF  }
0xab: {  	s26 =	simm.s32 $execute0_lowered;
	[smem:$0x3FD2] =	sst s25  }
0xac: {  	s6 =	sshll.u32 s26, $0x1;
	_ =	strace $0x80000049;
	[dreg:$0x1] =	wrdreg $0xFFFFFFFF  }
0xad: {  	s28 =	simm.s32 $_size_execute0_lowered;
	s4 =	sadd.s32 s4, s6;
	[dreg:$0x0] =	wrdreg $0x0  }
0xae: {  	s6 =	sshll.u32 s28, $0x1;
	[dreg:$0x2] =	wrdreg s4  }
0xaf: {  	[dreg:$0x3] =	wrdreg s6  }
0xb0: {  	[dreg:$0x4] =	wrdreg $0xC0  }
0xb1: {  	_ =	task [dreg:s8], $0x5FFFF  }
0xb2: {  	[dreg:$0x1] =	wrdreg $0xFFFFFFFF  }
0xb3: {  	[dreg:$0x0] =	wrdreg $0x60  }
0xb4: {  	[dreg:$0x2] =	wrdreg s17  }
0xb5: {  	[dreg:$0x3] =	wrdreg s24  }
0xb6: {  	[dreg:$0x4] =	wrdreg s16  }
0xb7: {  	[dreg:$0x5] =	wrdreg $0x50000  }
0xb8: {  	[dreg:$0x6] =	wrdreg $0x9  }
0xb9: {  	_ =	task.clear_ibuf [dreg:s8], $0x7FFFF;
	_ =	strace $0x90000049  }
0xba: {  	s29 =	simm.s32 $0x9;
	_ =	strace $0x8000004B  }
0xbb: {  	_ =	swait.ge [sflag:s29], $0x1  }
0xbc: {  	[sflag:s29] =	ssyncadd.s32 $0xFFFFFFFF  }
0xbd: {  	_ =	strace $0x9000004B  }
0xbe: {  	_ =	sfence  }
0xbf: {  	s30 =	sld [smem:$0x0];
	_ =	sdelay $0x2  }
0xc0: {  	s31 =	sshll.u32 s1, $0xD;
	s1 =	sshrl.u32 s1, $0x2  }
0xc1: {  	s3 =	sand.u32 $0x4000, s31;
	s1 =	sadd.s32 s1, s30  }
0xc2: {  	s0 =	sor.u32 s3, s0;
	s1 =	sshll.u32 s1, $0x11  }
0xc3: {  	s0 =	sor.u32 s1, s0  }
0xc4: {  	s0 =	sadd.s32 $0x8F2B, s0  }
0xc5: {  	[sflag:s0] =	ssyncadd.remote.s32 $0x1  }
0xc6: {  	_ =	sfence.sel $0xFFFF  }
0xc7: {  	[dreg:$0x0] =	wrdreg $0xFFFFFFFF;
	(pc) =	sbr.abs _section_cstart, $3  }
0xc8: {  	[dreg:$0x1] =	wrdreg $0xFFFFFFFF  }
0xc9: {  	_ =	task.clear_ibuf [dreg:s8], $0x2FFFF;
	_ =	strace $0x9FFFFFFF  }
0xca: {  	(tm) =	ssettm $0x7FFFFFFF  }
0xcb: {  	_ =	shalt  }
tec
execute0_lowered:
.L_overlay_start_1:
0x0: {  	(tag) =	ssettag $0x1  }
0x1: {  	s1 =	rddreg [dreg:$0x0]  }
0x2: {  	s6 =	rddreg [dreg:$0x1]  }
0x3: {  	s7 =	rddreg [dreg:$0x2]  }
0x4: {  	s0 =	srdreg.scid;
	s3 =	rddreg [dreg:$0x3];
	s4 =	simm.s32 $0x0  }
0x5: {  	s17 =	simm.s32 $0x50;
	s18 =	simm.s32 $0x2800;
	s5 =	sand.u32 $0x1, s0  }
0x6: {  	s19 =	simm.s32 $0x1;
	s0 =	stileid.u32;
	s9 =	smul.u32 $0x27100, s5  }
0x7: {  	s20 =	simm.s32 $0x0;
	[smem:$0x7FF] =	sst s4;
	s10 =	smul.u32 $0x2710, s0  }
0x8: {  	s24 =	sadd.s32 $0x15C00, s6;
	s16 =	sadd.s32 $0x138000, s3;
	s11 =	smul.u32 $0x4E000, s0  }
0x9: {  	s2 =	sshll.u32 s5, $0x4;
	s23 =	ssub.s32 $0x2, s5;
	s13 =	smul.u32 $0x13800, s0  }
0xa: {  	s28 =	smul.u32 $0x138800, s5;
	p0 =	sne.s32 s0, $0xF;
	s2 =	sor.u32 s0, s2  }
0xb: {  	s31 =	sshll.u32 s0, $0x6;
	s12 =	sshrl.u32 s23, $0x1;
	s8 =	smul.u32 $0x2710, s2  }
0xc: {  	s2 =	rddreg [dreg:$0x4];
	_ =	strace $0x8000004A;
	s9 =	sadd.s32 s10, s9  }
0xd: {  	s10 =	ssub.s32 s23, s12;
	s25 =	sshrl.u32 s11, $0x2;
	s26 =	sshrl.u32 s13, $0x3  }
0xe: {  	s29 =	sadd.s32 s13, s28;
	s30 =	sshrl.u32 s28, $0x3;
	s12 =	simm.s32 $0x2  }
0xf: {  	s13 =	sor.u32 $0x1C02, s31;
	s9 =	sshrl.u32 s9, $0x3;
	s15 =	sadd.s32 s25, s3  }
0x10: {  	s11 =	sadd.s32 s24, s30;
	s10 =	smax.u32 s10, $0x1;
	s8 =	sshrl.u32 s8, $0x3  }
0x11: {  	s14 =	sadd.s32 s9, s6;
	s9 =	sadd.s32 $0x27000, s11;
	s8 =	sadd.s32 s8, s6  }
0x12: {  	s6 =	sadd.s32 s7, s26;
	s7 =	sadd.s32 $0x27000, s7;
	s11 =	sadd.s32 $0xBE00, s14  }
0x13: {  	s14 =	sshrl.u32 s15, $0x3;
	s5 =	sadd.s32 $0x2000, s8;
	s8 =	sshrl.u32 s29, $0x3  }
0x14: {  	s15 =	sshrl.u32 @!p0 s16, $0x3;
	s16 =	simm.s32 $0x2780;
	s8 =	sadd.s32 s24, s8  }
.LBB2_1:
0x15: {  	[tilespmem:s4], [sflag:$0x2] =	stream.linear.gather [hbm4b:s5+s4], $0x2710, $0x38;
	[tilespmem:$0x18880] =	vst v63  }
0x16: {  	_ =	swait.ge [sflag:s12], $0x2710  }
0x17: {  	[sflag:s12] =	ssyncset.done $0x0  }
0x18: {  	[sflag:s12] =	ssyncadd.s32 $0xFFFFD8F0  }
0x19: {  	[spmem:s14], [sflag:s13] =	dma.local [hbm:s6], $0x2700  }
0x1a: {  	_ =	swait.ge [sflag:s12], $0x2700  }
0x1b: {  	[sflag:s12] =	ssyncset.done $0x0  }
0x1c: {  	s21 =	simm.s32 @!p0 $0x2;
	[sflag:s12] =	ssyncadd.s32 $0xFFFFD900  }
0x1d: {  	[spmem:s15], [sflag:s13] =	dma.local @!p0 [hbm:s7], $0x100  }
0x1e: {  	_ =	swait.ge @!p0 [sflag:s21], $0x100  }
0x1f: {  	[sflag:s21] =	ssyncset.done @!p0 $0x0  }
0x20: {  	[sflag:s21] =	ssyncadd.s32 @!p0 $0xFFFFFF00  }
0x21: {  	s31 =	sadd.s32 $0x0, s11;
	[bflag:$0x0] =	sbarrier.arrive $0xFFFF  }
0x22: {  	[tilespmem:s16], [sflag:$0x2] =	stream.linear.gather [hbm4b:s31+s4], $0x50, $0x38;
	[tilespmem:$0x18880] =	vst v63  }
0x23: {  	_ =	swait.ge [sflag:s12], $0x50  }
0x24: {  	[sflag:s12] =	ssyncset.done $0x0  }
0x25: {  	[sflag:s12] =	ssyncadd.s32 $0xFFFFFFB0  }
0x26: {  	[tilespmem:s18], [sflag:$0x1] =	stream.indirect.gather [hbm4b:s1+s17], $0x80, s4, s17, $0xb8;
	[tilespmem:$0x18880] =	vst v63  }
0x27: {  	_ =	swait.ge [sflag:s19], $0x2800  }
0x28: {  	[sflag:s19] =	ssyncset.done $0x0  }
0x29: {  	[sflag:s19] =	ssyncadd.s32 $0xFFFFD800  }
0x2a: {  	[spmem:s3] =	stream.indirect.scatter.add.f32 [tilespmem:s18], [sflag:$0x2], $0x80, s16, s17, $0xb8;
	[tilespmem:$0x18880] =	vst v63  }
0x2b: {  	s22 =	simm.s32 $0xA;
	_ =	swait.ge [sflag:s12], $0x2800  }
0x2c: {  	s23 =	simm.s32 $0x14;
	s21 =	simm.s32 $0x50;
	[sflag:s12] =	ssyncset.done $0x0  }
.LBB2_2:
0x2d: {  	s24 =	sadd.s32 s22, s11  }
0x2e: {  	[sflag:s12] =	ssyncadd.s32 $0xFFFFD800;
	s22 =	smov.u32 s23;
	s25 =	sadd.s32 $0xA, s23  }
0x2f: {  	[tilespmem:s16], [sflag:$0x2] =	stream.linear.gather [hbm4b:s24+s4], $0x50, $0x38;
	[tilespmem:$0x18880] =	vst v63  }
0x30: {  	p1 =	sne.s32 s23, $0x4D8;
	_ =	swait.ge [sflag:s12], $0x50  }
0x31: {  	[sflag:s12] =	ssyncset.done $0x0  }
0x32: {  	[sflag:s12] =	ssyncadd.s32 $0xFFFFFFB0  }
0x33: {  	[tilespmem:s18], [sflag:$0x1] =	stream.indirect.gather [hbm4b:s1+s17], $0x80, s21, s17, $0xb8;
	[tilespmem:$0x18880] =	vst v63  }
0x34: {  	_ =	swait.ge [sflag:s19], $0x2800  }
.Ltmp0:
0x35: {  	[sflag:s19] =	ssyncset.done $0x0;
	(pc) =	sbr.rel @p1 .LBB2_2-.Ltmp0, $4  }
0x36: {  	[sflag:s19] =	ssyncadd.s32 $0xFFFFD800  }
0x37: {  	[spmem:s3] =	stream.indirect.scatter.add.f32 [tilespmem:s18], [sflag:$0x2], $0x80, s16, s17, $0xb8;
	[tilespmem:$0x18880] =	vst v63  }
0x38: {  	_ =	swait.ge [sflag:s12], $0x2800  }
0x39: {  	s23 =	smov.u32 s25;
	s21 =	sadd.s32 $0x50, s21;
	[sflag:s12] =	ssyncset.done $0x0  }
0x3a: {  	s22 =	sadd.s32 s22, s11;
	[sflag:s12] =	ssyncadd.s32 $0xFFFFD800  }
0x3b: {  	[tilespmem:s16], [sflag:$0x2] =	stream.linear.gather [hbm4b:s22+s4], $0x50, $0x38;
	[tilespmem:$0x18880] =	vst v63  }
0x3c: {  	_ =	swait.ge [sflag:s12], $0x50  }
0x3d: {  	[sflag:s12] =	ssyncset.done $0x0  }
0x3e: {  	[sflag:s12] =	ssyncadd.s32 $0xFFFFFFB0  }
0x3f: {  	[tilespmem:s18], [sflag:$0x1] =	stream.indirect.gather [hbm4b:s1+s17], $0x80, s21, s17, $0xb8;
	[tilespmem:$0x18880] =	vst v63  }
0x40: {  	_ =	swait.ge [sflag:s19], $0x2800  }
0x41: {  	[sflag:s19] =	ssyncset.done $0x0  }
0x42: {  	[sflag:s19] =	ssyncadd.s32 $0xFFFFD800  }
0x43: {  	[spmem:s3] =	stream.indirect.scatter.add.f32 [tilespmem:s18], [sflag:$0x2], $0x80, s16, s17, $0xb8;
	[tilespmem:$0x18880] =	vst v63  }
0x44: {  	_ =	swait.ge [sflag:s12], $0x2800  }
0x45: {  	[sflag:s12] =	ssyncset.done $0x0  }
0x46: {  	[sflag:s12] =	ssyncadd.s32 $0xFFFFD800  }
0x47: {  	[bflag:$0x0] =	sbarrier.arrive $0xFFFF  }
0x48: {  	[hbm:s8], [sflag:s13] =	dma.local [spmem:s14], $0x2700  }
0x49: {  	s20 =	sadd.s32 $0x1, s20;
	_ =	swait.ge [sflag:s12], $0x2700  }
0x4a: {  	p1 =	sne.s32 s20, s10;
	[sflag:s12] =	ssyncset.done $0x0  }
.Ltmp1:
0x4b: {  	s21 =	simm.s32 @!p0 $0x2;
	[sflag:s12] =	ssyncadd.s32 $0xFFFFD900;
	(pc) =	sbr.rel @p1 .LBB2_1-.Ltmp1, $4  }
0x4c: {  	[hbm:s9], [sflag:s13] =	dma.local @!p0 [spmem:s15], $0x100  }
0x4d: {  	_ =	swait.ge @!p0 [sflag:s21], $0x100  }
0x4e: {  	[sflag:s21] =	ssyncset.done @!p0 $0x0  }
0x4f: {  	[sflag:s21] =	ssyncadd.s32 @!p0 $0xFFFFFF00  }
0x50: {  	_ =	sfence.sel $0x180000  }
0x51: {  	[bflag:$0x0] =	sbarrier.arrive $0xFFFF  }
0x52: {  	p0 =	sne.s32 s0, $0x0;
	_ =	strace $0x9000004A  }
0x53: {  	s0 =	sadd.s32 @!p0 $0x100000, s2;
	[bflag:$0x2] =	sbarrier.arrive $0xFFFF  }
0x54: {  	[sflag:s0] =	ssyncadd.tile.s32 @!p0 $0x1;
	_ =	shalt  }
.Lfunc_end2:
_tile_overlayer_lowered:
.L_overlay_start_2:
0x55: {  	(tag) =	ssettag $0x2  }
0x56: {  	s0 =	rddreg [dreg:$0x0];
	s2 =	stileid.u32  }
0x57: {  	s1 =	rddreg [dreg:$0x1];
	p0 =	sne.s32 s2, $0x0  }
0x58: {  	s3 =	rddreg [dreg:$0x2];
	[bflag:$0x3] =	sbarrier.arrive $0xFFFF;
	s2 =	simm.s32 @!p0 $0x1C02  }
0x59: {  	[timem:s3], [sflag:s2] =	dma.local @!p0 [hbm:s0], s1  }
0x5a: {  	s0 =	simm.s32 @!p0 $0x2  }
0x5b: {  	_ =	swait.ge @!p0 [sflag:s0], s1  }
0x5c: {  	s1 =	ssub.s32 @!p0 $0x0, s1;
	[sflag:s0] =	ssyncset.done @!p0 $0x0  }
0x5d: {  	[sflag:s0] =	ssyncadd.s32 @!p0 s1  }
0x5e: {  	[bflag:$0x3] =	sbarrier.arrive $0xFFFF  }
0x5f: {  	_ =	shalt  }

// kernel: kernel.15.cloned.1.call-start
scs
__scs_entry_jumppad:
0x0: {  	(pc) =	sbr.rel $0x88, $3  }
0x1: {  	(tag) =	ssettag $0x0;
	lr =	simm.s32 $0x1  }
0x2: {  	[smem:$0x3F9B] =	sst lr;
	_ =	strace $0xD0000000  }
0x3: {  	_ = 	snop  }
0x4: {  	_ = 	snop  }
0x5: {  	_ = 	snop  }
0x6: {  	_ = 	snop  }
0x7: {  	_ = 	snop  }
__scs_overlays_trampoline_lowered:
0x8: {  	[smem:$0x3FAA] =	sst s0  }
0x9: {  	[smem:$0x3FAB] =	sst s1  }
0xa: {  	[smem:$0x3FAC] =	sst s2  }
0xb: {  	[smem:$0x3FAD] =	sst s3  }
0xc: {  	[smem:$0x3FAE] =	sst s4  }
0xd: {  	[smem:$0x3FAF] =	sst s5  }
0xe: {  	[smem:$0x3FB0] =	sst s6  }
0xf: {  	[smem:$0x3FB1] =	sst s7  }
0x10: {  	[smem:$0x3FB2] =	sst s8  }
0x11: {  	[smem:$0x3FB3] =	sst s9;
	s0 =	simm.s32 @!p0 $0x0  }
0x12: {  	s1 =	sld [smem:$0x3F99];
	s0 =	simm.s32 @p0 $0x1  }
0x13: {  	[smem:$0x3FB4] =	sst s0;
	s0 =	simm.s32 @!p1 $0x0  }
0x14: {  	s2 =	sld [smem:$0x3F98];
	s0 =	simm.s32 @p1 $0x1  }
0x15: {  	[smem:$0x3FB5] =	sst s0;
	s0 =	simm.s32 @!p2 $0x0  }
0x16: {  	s3 =	sld [smem:$0x3FDB];
	s0 =	simm.s32 @p2 $0x1  }
0x17: {  	s4 =	simm.s32 $0x1BF5;
	[smem:$0x3FB7] =	sst s0  }
0x18: {  	s0 =	sld [smem:$0x3F9A];
	_ =	swait.ge [sflag:s4], $0x0  }
0x19: {  	s7 =	sld [smem:$0x3F9B]  }
0x1a: {  	s8 =	sadd.s32 $0xFFFFE003, lr  }
0x1b: {  	s9 =	sadd.s32 $0xFFFFFEF7, lr;
	s5 =	simm.s32 $0xFFFFFFFF;
	p2 =	slt.u32 s8, $0xFFFFF086  }
0x1c: {  	p1 =	slt.u32 s9, $0xF7A;
	s5 =	simm.s32 @!p2 $0x0  }
0x1d: {  	s5 =	simm.s32 @p1 $0x1;
	p0 =	seq.s32 s7, s2  }
0x1e: {  	s7 =	smul.u32 @!p0 $0xF7A, s2;
	p2 =	seq.s32 @!p0 s5, $0x0  }
0x1f: {  	s9 =	smul.u32 $0xF7A, s1;
	s8 =	simm.s32 @!p0 $0x1BF5;
	p2 =	por !p2, p0  }
0x20: {  	[sflag:s8] =	ssyncset.s32 @!p0 $0xFFFFF086;
	s6 =	sadd.s32 @!p0 s3, s7;
	s7 =	simm.s32 @!p0 $0x108  }
0x21: {  	s3 =	sadd.s32 s3, s9;
	s6 =	sadd.s32 @!p0 $0x88, s6;
	s7 =	simm.s32 @p2 $0x1082  }
0x22: {  	[simem:s7], [sflag:s8] =	dma.local @!p0 [hbm:s6], $0xF7A  }
0x23: {  	s9 =	sor.u32 $0xD0000000, s2;
	s6 =	simm.s32 $0x108;
	_ =	swait.ge @!p0 [sflag:s8], $0x0  }
0x24: {  	s3 =	sadd.s32 $0x88, s3;
	s6 =	simm.s32 @!p1 $0x1082;
	[sflag:s4] =	ssyncset.s32 $0xFFFFF086  }
0x25: {  	[simem:s6], [sflag:s4] =	dma.local [hbm:s3], $0xF7A  }
0x26: {  	[smem:$0x3F9B] =	sst s1;
	(tag) =	ssettag s2;
	_ =	strace s9  }
0x27: {  	s1 =	sld [smem:$0x3FAB]  }
0x28: {  	s2 =	sld [smem:$0x3FAC]  }
0x29: {  	s4 =	sld [smem:$0x3FAE]  }
0x2a: {  	p0 =	seq.s32 s5, $0x0;
	s5 =	sld [smem:$0x3FAF]  }
0x2b: {  	s6 =	sld [smem:$0x3FB0]  }
0x2c: {  	s7 =	sld [smem:$0x3FB1]  }
0x2d: {  	s3 =	simm.s32 $0x108;
	s8 =	sld [smem:$0x3FB2]  }
0x2e: {  	s3 =	simm.s32 @!p0 $0x1082;
	s9 =	sld [smem:$0x3FB3]  }
0x2f: {  	lr =	sadd.s32 s0, s3;
	s0 =	sld [smem:$0x3FAA]  }
0x30: {  	s3 =	sld [smem:$0x3FAD]  }
0x31: {  	[smem:$0x3FB6] =	sst s10  }
0x32: {  	s10 =	sld [smem:$0x3FB4];
	_ =	sdelay $0x3  }
0x33: {  	p0 =	seq.s32 s10, $0x1;
	s10 =	sld [smem:$0x3FB6];
	_ =	sdelay $0x3  }
0x34: {  	[smem:$0x3FB6] =	sst s10  }
0x35: {  	s10 =	sld [smem:$0x3FB5];
	_ =	sdelay $0x3  }
0x36: {  	p1 =	seq.s32 s10, $0x1;
	s10 =	sld [smem:$0x3FB6];
	_ =	sdelay $0x3  }
0x37: {  	[smem:$0x3FB6] =	sst s10  }
0x38: {  	s10 =	sld [smem:$0x3FB7]  }
0x39: {  	_ = 	snop;
	(pc) =	sbr.ind lr, $3  }
0x3a: {  	_ = 	snop  }
0x3b: {  	_ = 	snop  }
0x3c: {  	p2 =	seq.s32 s10, $0x1;
	s10 =	sld [smem:$0x3FB6]  }
0x3d: {  	_ =	shalt  }
0x3e: {  	_ =	shalt  }
0x3f: {  	_ =	shalt  }
0x40: {  	_ =	shalt  }
0x41: {  	_ =	shalt  }
0x42: {  	_ =	shalt  }
0x43: {  	_ =	shalt  }
0x44: {  	_ =	shalt  }
0x45: {  	_ =	shalt  }
0x46: {  	_ =	shalt  }
0x47: {  	_ =	shalt  }
0x48: {  	_ =	shalt  }
0x49: {  	_ =	shalt  }
0x4a: {  	_ =	shalt  }
0x4b: {  	_ =	shalt  }
0x4c: {  	_ =	shalt  }
0x4d: {  	_ =	shalt  }
0x4e: {  	_ =	shalt  }
0x4f: {  	_ =	shalt  }
0x50: {  	_ =	shalt  }
0x51: {  	_ =	shalt  }
0x52: {  	_ =	shalt  }
0x53: {  	_ =	shalt  }
0x54: {  	_ =	shalt  }
0x55: {  	_ =	shalt  }
0x56: {  	_ =	shalt  }
0x57: {  	_ =	shalt  }
0x58: {  	_ =	shalt  }
0x59: {  	_ =	shalt  }
0x5a: {  	_ =	shalt  }
0x5b: {  	_ =	shalt  }
0x5c: {  	_ =	shalt  }
0x5d: {  	_ =	shalt  }
0x5e: {  	_ =	shalt  }
0x5f: {  	_ =	shalt  }
0x60: {  	_ =	shalt  }
0x61: {  	_ =	shalt  }
0x62: {  	_ =	shalt  }
0x63: {  	_ =	shalt  }
0x64: {  	_ =	shalt  }
0x65: {  	_ =	shalt  }
0x66: {  	_ =	shalt  }
0x67: {  	_ =	shalt  }
0x68: {  	_ =	shalt  }
0x69: {  	_ =	shalt  }
0x6a: {  	_ =	shalt  }
0x6b: {  	_ =	shalt  }
0x6c: {  	_ =	shalt  }
0x6d: {  	_ =	shalt  }
0x6e: {  	_ =	shalt  }
0x6f: {  	_ =	shalt  }
0x70: {  	_ =	shalt  }
0x71: {  	_ =	shalt  }
0x72: {  	_ =	shalt  }
0x73: {  	_ =	shalt  }
0x74: {  	_ =	shalt  }
0x75: {  	_ =	shalt  }
0x76: {  	_ =	shalt  }
0x77: {  	_ =	shalt  }
0x78: {  	_ =	shalt  }
0x79: {  	_ =	shalt  }
0x7a: {  	_ =	shalt  }
0x7b: {  	_ =	shalt  }
0x7c: {  	_ =	shalt  }
0x7d: {  	_ =	shalt  }
0x7e: {  	_ =	shalt  }
0x7f: {  	_ =	shalt  }
0x80: {  	_ =	shalt  }
0x81: {  	_ =	shalt  }
0x82: {  	_ =	shalt  }
0x83: {  	_ =	shalt  }
0x84: {  	_ =	shalt  }
0x85: {  	_ =	shalt  }
0x86: {  	_ =	shalt  }
0x87: {  	_ =	shalt  }
.Lfunc_end0:
.L_simem_size_0:
called_computation.2_lowered:
.L_overlay_start_0:
0x88: {  	s2 =	sld [smem:$0x3FD9]  }
0x89: {  	s3 =	sld [smem:$0x3FFE];
	_ =	sdelay $0x1  }
0x8a: {  	s1 =	srdreg.scid  }
0x8b: {  	s0 =	sand.u32 $0x1, s1  }
0x8c: {  	s14 =	sshll.u32 s0, $0xA;
	s2 =	sadd.s32 s3, s2  }
0x8d: {  	s2 =	sadd.s32 s2, s14  }
0x8e: {  	[smem:$0x3FC2] =	sst s2  }
0x8f: {  	_ = 	snop  }
0x90: {  	s2 =	sld [smem:$0x3FD0];
	_ =	sdelay $0x2  }
0x91: {  	s15 =	simm.s32 $0xA;
	s4 =	simm.s32 $0x10  }
0x92: {  	[smem:s4], [sflag:s15] =	dma.local [hbm:s2], $0x1  }
0x93: {  	_ =	swait.eq [sflag:s15], $0x1  }
0x94: {  	[sflag:s15] =	ssyncset.done $0x0  }
0x95: {  	s16 =	sld [smem:$0x10];
	[sflag:s15] =	ssyncadd.s32 $0xFFFFFFFF  }
0x96: {  	s17 =	sld [smem:$0x11];
	(tm) =	ssettm $0x1  }
0x97: {  	s18 =	sld [smem:$0x3FFB];
	_ =	sdelay $0x3  }
0x98: {  	_ =	strace s18  }
0x99: {  	s4 =	sld [smem:$0x3FFC];
	_ =	sdelay $0x3  }
0x9a: {  	_ =	strace s4  }
0x9b: {  	s4 =	sld [smem:$0x3FFD];
	_ =	sdelay $0x3  }
0x9c: {  	_ =	strace s4  }
0x9d: {  	_ =	strace $0x8FFFFFFF  }
0x9e: {  	s19 =	sld [smem:$0x3FDB];
	_ =	sdelay $0x1  }
0x9f: {  	s5 =	simm.s32 $_scs_section_size  }
0xa0: {  	s6 =	simm.s32 $_size__tile_overlayer_lowered;
	s7 =	simm.s32 $_tile_overlayer_lowered  }
0xa1: {  	s22 =	simm.s32 $0x1BFF;
	s21 =	sshll.u32 s7, $0x1;
	s4 =	sadd.s32 s5, s19  }
0xa2: {  	s8 =	simm.s32 $0x0;
	s20 =	sshll.u32 s6, $0x1;
	s6 =	sadd.s32 s21, s4  }
0xa3: {  	[timem:s8], [sflag:s22] =	dma.local [hbm:s6], s20  }
0xa4: {  	_ =	swait.ge [sflag:s22], s20  }
0xa5: {  	s5 =	ssub.s32 $0x0, s20;
	[sflag:s22] =	ssyncset.done $0x0  }
0xa6: {  	[sflag:s22] =	ssyncadd.s32 s5;
	_ =	sdelay $0x1  }
0xa7: {  	s23 =	simm.s32 $0x1B8B  }
0xa8: {  	_ =	swait.ge [sflag:s23], $0x1  }
0xa9: {  	[sflag:s23] =	ssyncset.done $0x0  }
0xaa: {  	s25 =	simm.s32 $0x1B8E;
	s24 =	sld [smem:$0x3FFE];
	[sflag:s23] =	ssyncadd.s32 $0xFFFFFFFF  }
0xab: {  	s26 =	simm.s32 $execute0_lowered;
	[smem:$0x3FD2] =	sst s25  }
0xac: {  	s6 =	sshll.u32 s26, $0x1;
	_ =	strace $0x8000004C;
	[dreg:$0x1] =	wrdreg $0xFFFFFFFF  }
0xad: {  	s28 =	simm.s32 $_size_execute0_lowered;
	s4 =	sadd.s32 s4, s6;
	[dreg:$0x0] =	wrdreg $0x0  }
0xae: {  	s6 =	sshll.u32 s28, $0x1;
	[dreg:$0x2] =	wrdreg s4  }
0xaf: {  	[dreg:$0x3] =	wrdreg s6  }
0xb0: {  	[dreg:$0x4] =	wrdreg $0xC0  }
0xb1: {  	_ =	task [dreg:s8], $0x5FFFF  }
0xb2: {  	[dreg:$0x1] =	wrdreg $0xFFFFFFFF  }
0xb3: {  	[dreg:$0x0] =	wrdreg $0x60  }
0xb4: {  	[dreg:$0x2] =	wrdreg s17  }
0xb5: {  	[dreg:$0x3] =	wrdreg s24  }
0xb6: {  	[dreg:$0x4] =	wrdreg s16  }
0xb7: {  	[dreg:$0x5] =	wrdreg $0x50000  }
0xb8: {  	[dreg:$0x6] =	wrdreg $0x9  }
0xb9: {  	_ =	task.clear_ibuf [dreg:s8], $0x7FFFF;
	_ =	strace $0x9000004C  }
0xba: {  	s29 =	simm.s32 $0x9;
	_ =	strace $0x8000004E  }
0xbb: {  	_ =	swait.ge [sflag:s29], $0x1  }
0xbc: {  	[sflag:s29] =	ssyncadd.s32 $0xFFFFFFFF  }
0xbd: {  	_ =	strace $0x9000004E  }
0xbe: {  	_ =	sfence  }
0xbf: {  	s30 =	sld [smem:$0x0];
	_ =	sdelay $0x2  }
0xc0: {  	s31 =	sshll.u32 s1, $0xD;
	s1 =	sshrl.u32 s1, $0x2  }
0xc1: {  	s3 =	sand.u32 $0x4000, s31;
	s1 =	sadd.s32 s1, s30  }
0xc2: {  	s0 =	sor.u32 s3, s0;
	s1 =	sshll.u32 s1, $0x11  }
0xc3: {  	s0 =	sor.u32 s1, s0  }
0xc4: {  	s0 =	sadd.s32 $0x8F2B, s0  }
0xc5: {  	[sflag:s0] =	ssyncadd.remote.s32 $0x1  }
0xc6: {  	_ =	sfence.sel $0xFFFF  }
0xc7: {  	[dreg:$0x0] =	wrdreg $0xFFFFFFFF;
	(pc) =	sbr.abs _section_cstart, $3  }
0xc8: {  	[dreg:$0x1] =	wrdreg $0xFFFFFFFF  }
0xc9: {  	_ =	task.clear_ibuf [dreg:s8], $0x2FFFF;
	_ =	strace $0x9FFFFFFF  }
0xca: {  	(tm) =	ssettm $0x7FFFFFFF  }
0xcb: {  	_ =	shalt  }
tec
execute0_lowered:
.L_overlay_start_1:
0x0: {  	(tag) =	ssettag $0x1  }
0x1: {  	s1 =	rddreg [dreg:$0x0]  }
0x2: {  	s6 =	rddreg [dreg:$0x1]  }
0x3: {  	s7 =	rddreg [dreg:$0x2]  }
0x4: {  	s0 =	srdreg.scid;
	s3 =	rddreg [dreg:$0x3];
	s4 =	simm.s32 $0x0  }
0x5: {  	s17 =	simm.s32 $0x50;
	s18 =	simm.s32 $0x2800;
	s5 =	sand.u32 $0x1, s0  }
0x6: {  	s19 =	simm.s32 $0x1;
	s0 =	stileid.u32;
	s9 =	smul.u32 $0x27100, s5  }
0x7: {  	s20 =	simm.s32 $0x0;
	[smem:$0x7FF] =	sst s4;
	s10 =	smul.u32 $0x2710, s0  }
0x8: {  	s24 =	sadd.s32 $0x15C00, s6;
	s16 =	sadd.s32 $0x138000, s3;
	s11 =	smul.u32 $0x4E000, s0  }
0x9: {  	s2 =	sshll.u32 s5, $0x4;
	s23 =	ssub.s32 $0x2, s5;
	s13 =	smul.u32 $0x13800, s0  }
0xa: {  	s28 =	smul.u32 $0x138800, s5;
	p0 =	sne.s32 s0, $0xF;
	s2 =	sor.u32 s0, s2  }
0xb: {  	s31 =	sshll.u32 s0, $0x6;
	s12 =	sshrl.u32 s23, $0x1;
	s8 =	smul.u32 $0x2710, s2  }
0xc: {  	s2 =	rddreg [dreg:$0x4];
	_ =	strace $0x8000004D;
	s9 =	sadd.s32 s10, s9  }
0xd: {  	s10 =	ssub.s32 s23, s12;
	s25 =	sshrl.u32 s11, $0x2;
	s26 =	sshrl.u32 s13, $0x3  }
0xe: {  	s29 =	sadd.s32 s13, s28;
	s30 =	sshrl.u32 s28, $0x3;
	s12 =	simm.s32 $0x2  }
0xf: {  	s13 =	sor.u32 $0x1C02, s31;
	s9 =	sshrl.u32 s9, $0x3;
	s15 =	sadd.s32 s25, s3  }
0x10: {  	s11 =	sadd.s32 s24, s30;
	s10 =	smax.u32 s10, $0x1;
	s8 =	sshrl.u32 s8, $0x3  }
0x11: {  	s14 =	sadd.s32 s9, s6;
	s9 =	sadd.s32 $0x27000, s11;
	s8 =	sadd.s32 s8, s6  }
0x12: {  	s6 =	sadd.s32 s7, s26;
	s7 =	sadd.s32 $0x27000, s7;
	s11 =	sadd.s32 $0xBE00, s14  }
0x13: {  	s14 =	sshrl.u32 s15, $0x3;
	s5 =	sadd.s32 $0x2000, s8;
	s8 =	sshrl.u32 s29, $0x3  }
0x14: {  	s15 =	sshrl.u32 @!p0 s16, $0x3;
	s16 =	simm.s32 $0x2780;
	s8 =	sadd.s32 s24, s8  }
.LBB2_1:
0x15: {  	[tilespmem:s4], [sflag:$0x2] =	stream.linear.gather [hbm4b:s5+s4], $0x2710, $0x38;
	[tilespmem:$0x18880] =	vst v63  }
0x16: {  	_ =	swait.ge [sflag:s12], $0x2710  }
0x17: {  	[sflag:s12] =	ssyncset.done $0x0  }
0x18: {  	[sflag:s12] =	ssyncadd.s32 $0xFFFFD8F0  }
0x19: {  	[spmem:s14], [sflag:s13] =	dma.local [hbm:s6], $0x2700  }
0x1a: {  	_ =	swait.ge [sflag:s12], $0x2700  }
0x1b: {  	[sflag:s12] =	ssyncset.done $0x0  }
0x1c: {  	s21 =	simm.s32 @!p0 $0x2;
	[sflag:s12] =	ssyncadd.s32 $0xFFFFD900  }
0x1d: {  	[spmem:s15], [sflag:s13] =	dma.local @!p0 [hbm:s7], $0x100  }
0x1e: {  	_ =	swait.ge @!p0 [sflag:s21], $0x100  }
0x1f: {  	[sflag:s21] =	ssyncset.done @!p0 $0x0  }
0x20: {  	[sflag:s21] =	ssyncadd.s32 @!p0 $0xFFFFFF00  }
0x21: {  	s31 =	sadd.s32 $0x0, s11;
	[bflag:$0x0] =	sbarrier.arrive $0xFFFF  }
0x22: {  	[tilespmem:s16], [sflag:$0x2] =	stream.linear.gather [hbm4b:s31+s4], $0x50, $0x38;
	[tilespmem:$0x18880] =	vst v63  }
0x23: {  	_ =	swait.ge [sflag:s12], $0x50  }
0x24: {  	[sflag:s12] =	ssyncset.done $0x0  }
0x25: {  	[sflag:s12] =	ssyncadd.s32 $0xFFFFFFB0  }
0x26: {  	[tilespmem:s18], [sflag:$0x1] =	stream.indirect.gather [hbm4b:s1+s17], $0x80, s4, s17, $0xb8;
	[tilespmem:$0x18880] =	vst v63  }
0x27: {  	_ =	swait.ge [sflag:s19], $0x2800  }
0x28: {  	[sflag:s19] =	ssyncset.done $0x0  }
0x29: {  	[sflag:s19] =	ssyncadd.s32 $0xFFFFD800  }
0x2a: {  	[spmem:s3] =	stream.indirect.scatter.add.f32 [tilespmem:s18], [sflag:$0x2], $0x80, s16, s17, $0xb8;
	[tilespmem:$0x18880] =	vst v63  }
0x2b: {  	s22 =	simm.s32 $0xA;
	_ =	swait.ge [sflag:s12], $0x2800  }
0x2c: {  	s23 =	simm.s32 $0x14;
	s21 =	simm.s32 $0x50;
	[sflag:s12] =	ssyncset.done $0x0  }
.LBB2_2:
0x2d: {  	s24 =	sadd.s32 s22, s11  }
0x2e: {  	[sflag:s12] =	ssyncadd.s32 $0xFFFFD800;
	s22 =	smov.u32 s23;
	s25 =	sadd.s32 $0xA, s23  }
0x2f: {  	[tilespmem:s16], [sflag:$0x2] =	stream.linear.gather [hbm4b:s24+s4], $0x50, $0x38;
	[tilespmem:$0x18880] =	vst v63  }
0x30: {  	p1 =	sne.s32 s23, $0x4D8;
	_ =	swait.ge [sflag:s12], $0x50  }
0x31: {  	[sflag:s12] =	ssyncset.done $0x0  }
0x32: {  	[sflag:s12] =	ssyncadd.s32 $0xFFFFFFB0  }
0x33: {  	[tilespmem:s18], [sflag:$0x1] =	stream.indirect.gather [hbm4b:s1+s17], $0x80, s21, s17, $0xb8;
	[tilespmem:$0x18880] =	vst v63  }
0x34: {  	_ =	swait.ge [sflag:s19], $0x2800  }
.Ltmp0:
0x35: {  	[sflag:s19] =	ssyncset.done $0x0;
	(pc) =	sbr.rel @p1 .LBB2_2-.Ltmp0, $4  }
0x36: {  	[sflag:s19] =	ssyncadd.s32 $0xFFFFD800  }
0x37: {  	[spmem:s3] =	stream.indirect.scatter.add.f32 [tilespmem:s18], [sflag:$0x2], $0x80, s16, s17, $0xb8;
	[tilespmem:$0x18880] =	vst v63  }
0x38: {  	_ =	swait.ge [sflag:s12], $0x2800  }
0x39: {  	s23 =	smov.u32 s25;
	s21 =	sadd.s32 $0x50, s21;
	[sflag:s12] =	ssyncset.done $0x0  }
0x3a: {  	s22 =	sadd.s32 s22, s11;
	[sflag:s12] =	ssyncadd.s32 $0xFFFFD800  }
0x3b: {  	[tilespmem:s16], [sflag:$0x2] =	stream.linear.gather [hbm4b:s22+s4], $0x50, $0x38;
	[tilespmem:$0x18880] =	vst v63  }
0x3c: {  	_ =	swait.ge [sflag:s12], $0x50  }
0x3d: {  	[sflag:s12] =	ssyncset.done $0x0  }
0x3e: {  	[sflag:s12] =	ssyncadd.s32 $0xFFFFFFB0  }
0x3f: {  	[tilespmem:s18], [sflag:$0x1] =	stream.indirect.gather [hbm4b:s1+s17], $0x80, s21, s17, $0xb8;
	[tilespmem:$0x18880] =	vst v63  }
0x40: {  	_ =	swait.ge [sflag:s19], $0x2800  }
0x41: {  	[sflag:s19] =	ssyncset.done $0x0  }
0x42: {  	[sflag:s19] =	ssyncadd.s32 $0xFFFFD800  }
0x43: {  	[spmem:s3] =	stream.indirect.scatter.add.f32 [tilespmem:s18], [sflag:$0x2], $0x80, s16, s17, $0xb8;
	[tilespmem:$0x18880] =	vst v63  }
0x44: {  	_ =	swait.ge [sflag:s12], $0x2800  }
0x45: {  	[sflag:s12] =	ssyncset.done $0x0  }
0x46: {  	[sflag:s12] =	ssyncadd.s32 $0xFFFFD800  }
0x47: {  	[bflag:$0x0] =	sbarrier.arrive $0xFFFF  }
0x48: {  	[hbm:s8], [sflag:s13] =	dma.local [spmem:s14], $0x2700  }
0x49: {  	s20 =	sadd.s32 $0x1, s20;
	_ =	swait.ge [sflag:s12], $0x2700  }
0x4a: {  	p1 =	sne.s32 s20, s10;
	[sflag:s12] =	ssyncset.done $0x0  }
.Ltmp1:
0x4b: {  	s21 =	simm.s32 @!p0 $0x2;
	[sflag:s12] =	ssyncadd.s32 $0xFFFFD900;
	(pc) =	sbr.rel @p1 .LBB2_1-.Ltmp1, $4  }
0x4c: {  	[hbm:s9], [sflag:s13] =	dma.local @!p0 [spmem:s15], $0x100  }
0x4d: {  	_ =	swait.ge @!p0 [sflag:s21], $0x100  }
0x4e: {  	[sflag:s21] =	ssyncset.done @!p0 $0x0  }
0x4f: {  	[sflag:s21] =	ssyncadd.s32 @!p0 $0xFFFFFF00  }
0x50: {  	_ =	sfence.sel $0x180000  }
0x51: {  	[bflag:$0x0] =	sbarrier.arrive $0xFFFF  }
0x52: {  	p0 =	sne.s32 s0, $0x0;
	_ =	strace $0x9000004D  }
0x53: {  	s0 =	sadd.s32 @!p0 $0x100000, s2;
	[bflag:$0x2] =	sbarrier.arrive $0xFFFF  }
0x54: {  	[sflag:s0] =	ssyncadd.tile.s32 @!p0 $0x1;
	_ =	shalt  }
.Lfunc_end2:
_tile_overlayer_lowered:
.L_overlay_start_2:
0x55: {  	(tag) =	ssettag $0x2  }
0x56: {  	s0 =	rddreg [dreg:$0x0];
	s2 =	stileid.u32  }
0x57: {  	s1 =	rddreg [dreg:$0x1];
	p0 =	sne.s32 s2, $0x0  }
0x58: {  	s3 =	rddreg [dreg:$0x2];
	[bflag:$0x3] =	sbarrier.arrive $0xFFFF;
	s2 =	simm.s32 @!p0 $0x1C02  }
0x59: {  	[timem:s3], [sflag:s2] =	dma.local @!p0 [hbm:s0], s1  }
0x5a: {  	s0 =	simm.s32 @!p0 $0x2  }
0x5b: {  	_ =	swait.ge @!p0 [sflag:s0], s1  }
0x5c: {  	s1 =	ssub.s32 @!p0 $0x0, s1;
	[sflag:s0] =	ssyncset.done @!p0 $0x0  }
0x5d: {  	[sflag:s0] =	ssyncadd.s32 @!p0 s1  }
0x5e: {  	[bflag:$0x3] =	sbarrier.arrive $0xFFFF  }
0x5f: {  	_ =	shalt  }

// kernel: kernel.9.cloned.1.call-start
scs
__scs_entry_jumppad:
0x0: {  	(pc) =	sbr.rel $0x88, $3  }
0x1: {  	(tag) =	ssettag $0x0;
	lr =	simm.s32 $0x1  }
0x2: {  	[smem:$0x3F9B] =	sst lr;
	_ =	strace $0xD0000000  }
0x3: {  	_ = 	snop  }
0x4: {  	_ = 	snop  }
0x5: {  	_ = 	snop  }
0x6: {  	_ = 	snop  }
0x7: {  	_ = 	snop  }
__scs_overlays_trampoline_lowered:
0x8: {  	[smem:$0x3FAA] =	sst s0  }
0x9: {  	[smem:$0x3FAB] =	sst s1  }
0xa: {  	[smem:$0x3FAC] =	sst s2  }
0xb: {  	[smem:$0x3FAD] =	sst s3  }
0xc: {  	[smem:$0x3FAE] =	sst s4  }
0xd: {  	[smem:$0x3FAF] =	sst s5  }
0xe: {  	[smem:$0x3FB0] =	sst s6  }
0xf: {  	[smem:$0x3FB1] =	sst s7  }
0x10: {  	[smem:$0x3FB2] =	sst s8  }
0x11: {  	[smem:$0x3FB3] =	sst s9;
	s0 =	simm.s32 @!p0 $0x0  }
0x12: {  	s1 =	sld [smem:$0x3F99];
	s0 =	simm.s32 @p0 $0x1  }
0x13: {  	[smem:$0x3FB4] =	sst s0;
	s0 =	simm.s32 @!p1 $0x0  }
0x14: {  	s2 =	sld [smem:$0x3F98];
	s0 =	simm.s32 @p1 $0x1  }
0x15: {  	[smem:$0x3FB5] =	sst s0;
	s0 =	simm.s32 @!p2 $0x0  }
0x16: {  	s3 =	sld [smem:$0x3FDB];
	s0 =	simm.s32 @p2 $0x1  }
0x17: {  	s4 =	simm.s32 $0x1BF5;
	[smem:$0x3FB7] =	sst s0  }
0x18: {  	s0 =	sld [smem:$0x3F9A];
	_ =	swait.ge [sflag:s4], $0x0  }
0x19: {  	s7 =	sld [smem:$0x3F9B]  }
0x1a: {  	s8 =	sadd.s32 $0xFFFFE003, lr  }
0x1b: {  	s9 =	sadd.s32 $0xFFFFFEF7, lr;
	s5 =	simm.s32 $0xFFFFFFFF;
	p2 =	slt.u32 s8, $0xFFFFF086  }
0x1c: {  	p1 =	slt.u32 s9, $0xF7A;
	s5 =	simm.s32 @!p2 $0x0  }
0x1d: {  	s5 =	simm.s32 @p1 $0x1;
	p0 =	seq.s32 s7, s2  }
0x1e: {  	s7 =	smul.u32 @!p0 $0xF7A, s2;
	p2 =	seq.s32 @!p0 s5, $0x0  }
0x1f: {  	s9 =	smul.u32 $0xF7A, s1;
	s8 =	simm.s32 @!p0 $0x1BF5;
	p2 =	por !p2, p0  }
0x20: {  	[sflag:s8] =	ssyncset.s32 @!p0 $0xFFFFF086;
	s6 =	sadd.s32 @!p0 s3, s7;
	s7 =	simm.s32 @!p0 $0x108  }
0x21: {  	s3 =	sadd.s32 s3, s9;
	s6 =	sadd.s32 @!p0 $0x88, s6;
	s7 =	simm.s32 @p2 $0x1082  }
0x22: {  	[simem:s7], [sflag:s8] =	dma.local @!p0 [hbm:s6], $0xF7A  }
0x23: {  	s9 =	sor.u32 $0xD0000000, s2;
	s6 =	simm.s32 $0x108;
	_ =	swait.ge @!p0 [sflag:s8], $0x0  }
0x24: {  	s3 =	sadd.s32 $0x88, s3;
	s6 =	simm.s32 @!p1 $0x1082;
	[sflag:s4] =	ssyncset.s32 $0xFFFFF086  }
0x25: {  	[simem:s6], [sflag:s4] =	dma.local [hbm:s3], $0xF7A  }
0x26: {  	[smem:$0x3F9B] =	sst s1;
	(tag) =	ssettag s2;
	_ =	strace s9  }
0x27: {  	s1 =	sld [smem:$0x3FAB]  }
0x28: {  	s2 =	sld [smem:$0x3FAC]  }
0x29: {  	s4 =	sld [smem:$0x3FAE]  }
0x2a: {  	p0 =	seq.s32 s5, $0x0;
	s5 =	sld [smem:$0x3FAF]  }
0x2b: {  	s6 =	sld [smem:$0x3FB0]  }
0x2c: {  	s7 =	sld [smem:$0x3FB1]  }
0x2d: {  	s3 =	simm.s32 $0x108;
	s8 =	sld [smem:$0x3FB2]  }
0x2e: {  	s3 =	simm.s32 @!p0 $0x1082;
	s9 =	sld [smem:$0x3FB3]  }
0x2f: {  	lr =	sadd.s32 s0, s3;
	s0 =	sld [smem:$0x3FAA]  }
0x30: {  	s3 =	sld [smem:$0x3FAD]  }
0x31: {  	[smem:$0x3FB6] =	sst s10  }
0x32: {  	s10 =	sld [smem:$0x3FB4];
	_ =	sdelay $0x3  }
0x33: {  	p0 =	seq.s32 s10, $0x1;
	s10 =	sld [smem:$0x3FB6];
	_ =	sdelay $0x3  }
0x34: {  	[smem:$0x3FB6] =	sst s10  }
0x35: {  	s10 =	sld [smem:$0x3FB5];
	_ =	sdelay $0x3  }
0x36: {  	p1 =	seq.s32 s10, $0x1;
	s10 =	sld [smem:$0x3FB6];
	_ =	sdelay $0x3  }
0x37: {  	[smem:$0x3FB6] =	sst s10  }
0x38: {  	s10 =	sld [smem:$0x3FB7]  }
0x39: {  	_ = 	snop;
	(pc) =	sbr.ind lr, $3  }
0x3a: {  	_ = 	snop  }
0x3b: {  	_ = 	snop  }
0x3c: {  	p2 =	seq.s32 s10, $0x1;
	s10 =	sld [smem:$0x3FB6]  }
0x3d: {  	_ =	shalt  }
0x3e: {  	_ =	shalt  }
0x3f: {  	_ =	shalt  }
0x40: {  	_ =	shalt  }
0x41: {  	_ =	shalt  }
0x42: {  	_ =	shalt  }
0x43: {  	_ =	shalt  }
0x44: {  	_ =	shalt  }
0x45: {  	_ =	shalt  }
0x46: {  	_ =	shalt  }
0x47: {  	_ =	shalt  }
0x48: {  	_ =	shalt  }
0x49: {  	_ =	shalt  }
0x4a: {  	_ =	shalt  }
0x4b: {  	_ =	shalt  }
0x4c: {  	_ =	shalt  }
0x4d: {  	_ =	shalt  }
0x4e: {  	_ =	shalt  }
0x4f: {  	_ =	shalt  }
0x50: {  	_ =	shalt  }
0x51: {  	_ =	shalt  }
0x52: {  	_ =	shalt  }
0x53: {  	_ =	shalt  }
0x54: {  	_ =	shalt  }
0x55: {  	_ =	shalt  }
0x56: {  	_ =	shalt  }
0x57: {  	_ =	shalt  }
0x58: {  	_ =	shalt  }
0x59: {  	_ =	shalt  }
0x5a: {  	_ =	shalt  }
0x5b: {  	_ =	shalt  }
0x5c: {  	_ =	shalt  }
0x5d: {  	_ =	shalt  }
0x5e: {  	_ =	shalt  }
0x5f: {  	_ =	shalt  }
0x60: {  	_ =	shalt  }
0x61: {  	_ =	shalt  }
0x62: {  	_ =	shalt  }
0x63: {  	_ =	shalt  }
0x64: {  	_ =	shalt  }
0x65: {  	_ =	shalt  }
0x66: {  	_ =	shalt  }
0x67: {  	_ =	shalt  }
0x68: {  	_ =	shalt  }
0x69: {  	_ =	shalt  }
0x6a: {  	_ =	shalt  }
0x6b: {  	_ =	shalt  }
0x6c: {  	_ =	shalt  }
0x6d: {  	_ =	shalt  }
0x6e: {  	_ =	shalt  }
0x6f: {  	_ =	shalt  }
0x70: {  	_ =	shalt  }
0x71: {  	_ =	shalt  }
0x72: {  	_ =	shalt  }
0x73: {  	_ =	shalt  }
0x74: {  	_ =	shalt  }
0x75: {  	_ =	shalt  }
0x76: {  	_ =	shalt  }
0x77: {  	_ =	shalt  }
0x78: {  	_ =	shalt  }
0x79: {  	_ =	shalt  }
0x7a: {  	_ =	shalt  }
0x7b: {  	_ =	shalt  }
0x7c: {  	_ =	shalt  }
0x7d: {  	_ =	shalt  }
0x7e: {  	_ =	shalt  }
0x7f: {  	_ =	shalt  }
0x80: {  	_ =	shalt  }
0x81: {  	_ =	shalt  }
0x82: {  	_ =	shalt  }
0x83: {  	_ =	shalt  }
0x84: {  	_ =	shalt  }
0x85: {  	_ =	shalt  }
0x86: {  	_ =	shalt  }
0x87: {  	_ =	shalt  }
.Lfunc_end0:
.L_simem_size_0:
called_computation_lowered:
.L_overlay_start_0:
0x88: {  	s2 =	sld [smem:$0x3FD9]  }
0x89: {  	s3 =	sld [smem:$0x3FFE];
	_ =	sdelay $0x1  }
0x8a: {  	s1 =	srdreg.scid  }
0x8b: {  	s0 =	sand.u32 $0x1, s1  }
0x8c: {  	s14 =	sshll.u32 s0, $0xA;
	s2 =	sadd.s32 s3, s2  }
0x8d: {  	s2 =	sadd.s32 s2, s14  }
0x8e: {  	[smem:$0x3FC2] =	sst s2  }
0x8f: {  	_ = 	snop  }
0x90: {  	s2 =	sld [smem:$0x3FD0];
	_ =	sdelay $0x2  }
0x91: {  	s15 =	simm.s32 $0xA;
	s4 =	simm.s32 $0x10  }
0x92: {  	[smem:s4], [sflag:s15] =	dma.local [hbm:s2], $0x1  }
0x93: {  	_ =	swait.eq [sflag:s15], $0x1  }
0x94: {  	[sflag:s15] =	ssyncset.done $0x0  }
0x95: {  	[sflag:s15] =	ssyncadd.s32 $0xFFFFFFFF  }
0x96: {  	s16 =	sld [smem:$0x11];
	(tm) =	ssettm $0x1  }
0x97: {  	s17 =	sld [smem:$0x3FFB];
	_ =	sdelay $0x3  }
0x98: {  	_ =	strace s17  }
0x99: {  	s3 =	sld [smem:$0x3FFC];
	_ =	sdelay $0x3  }
0x9a: {  	_ =	strace s3  }
0x9b: {  	s3 =	sld [smem:$0x3FFD];
	_ =	sdelay $0x3  }
0x9c: {  	_ =	strace s3  }
0x9d: {  	_ =	strace $0x8FFFFFFF  }
0x9e: {  	s18 =	sld [smem:$0x3FDB];
	_ =	sdelay $0x1  }
0x9f: {  	s19 =	simm.s32 $_scs_section_size  }
0xa0: {  	s5 =	simm.s32 $_size__tile_overlayer_lowered;
	s6 =	simm.s32 $_tile_overlayer_lowered  }
0xa1: {  	s22 =	simm.s32 $0x1BFF;
	s21 =	sshll.u32 s6, $0x1;
	s3 =	sadd.s32 s19, s18  }
0xa2: {  	s7 =	simm.s32 $0x0;
	s20 =	sshll.u32 s5, $0x1;
	s5 =	sadd.s32 s21, s3  }
0xa3: {  	[timem:s7], [sflag:s22] =	dma.local [hbm:s5], s20  }
0xa4: {  	_ =	swait.ge [sflag:s22], s20  }
0xa5: {  	s4 =	ssub.s32 $0x0, s20;
	[sflag:s22] =	ssyncset.done $0x0  }
0xa6: {  	[sflag:s22] =	ssyncadd.s32 s4;
	_ =	sdelay $0x1  }
0xa7: {  	s23 =	simm.s32 $0x1B8B  }
0xa8: {  	_ =	swait.ge [sflag:s23], $0x1  }
0xa9: {  	[sflag:s23] =	ssyncset.done $0x0  }
0xaa: {  	s25 =	simm.s32 $0x1B8E;
	s24 =	sld [smem:$0x3FFE];
	[sflag:s23] =	ssyncadd.s32 $0xFFFFFFFF  }
0xab: {  	s26 =	simm.s32 $execute0_lowered;
	[smem:$0x3FD2] =	sst s25  }
0xac: {  	s5 =	sshll.u32 s26, $0x1;
	_ =	strace $0x80000046;
	[dreg:$0x1] =	wrdreg $0xFFFFFFFF  }
0xad: {  	s28 =	simm.s32 $_size_execute0_lowered;
	s3 =	sadd.s32 s3, s5;
	[dreg:$0x0] =	wrdreg $0x0  }
0xae: {  	s5 =	sshll.u32 s28, $0x1;
	[dreg:$0x2] =	wrdreg s3  }
0xaf: {  	[dreg:$0x3] =	wrdreg s5  }
0xb0: {  	[dreg:$0x4] =	wrdreg $0xC0  }
0xb1: {  	_ =	task [dreg:s7], $0x5FFFF  }
0xb2: {  	[dreg:$0x1] =	wrdreg $0xFFFFFFFF  }
0xb3: {  	[dreg:$0x0] =	wrdreg $0x60  }
0xb4: {  	[dreg:$0x2] =	wrdreg s24  }
0xb5: {  	[dreg:$0x3] =	wrdreg s16  }
0xb6: {  	[dreg:$0x4] =	wrdreg $0x9  }
0xb7: {  	_ =	task.clear_ibuf [dreg:s7], $0x5FFFF;
	_ =	strace $0x90000046  }
0xb8: {  	s29 =	simm.s32 $0x9;
	_ =	strace $0x80000048  }
0xb9: {  	_ =	swait.ge [sflag:s29], $0x1  }
0xba: {  	[sflag:s29] =	ssyncadd.s32 $0xFFFFFFFF  }
0xbb: {  	_ =	strace $0x90000048  }
0xbc: {  	_ =	sfence  }
0xbd: {  	s30 =	sld [smem:$0x0];
	_ =	sdelay $0x2  }
0xbe: {  	s31 =	sshll.u32 s1, $0xD;
	s1 =	sshrl.u32 s1, $0x2  }
0xbf: {  	s3 =	sand.u32 $0x4000, s31;
	s1 =	sadd.s32 s1, s30  }
0xc0: {  	s0 =	sor.u32 s3, s0;
	s1 =	sshll.u32 s1, $0x11  }
0xc1: {  	s0 =	sor.u32 s1, s0  }
0xc2: {  	s0 =	sadd.s32 $0x8F2B, s0  }
0xc3: {  	[sflag:s0] =	ssyncadd.remote.s32 $0x1  }
0xc4: {  	_ =	sfence.sel $0xFFFF  }
0xc5: {  	[dreg:$0x0] =	wrdreg $0xFFFFFFFF;
	(pc) =	sbr.abs _section_cstart, $3  }
0xc6: {  	[dreg:$0x1] =	wrdreg $0xFFFFFFFF  }
0xc7: {  	_ =	task.clear_ibuf [dreg:s7], $0x2FFFF;
	_ =	strace $0x9FFFFFFF  }
0xc8: {  	(tm) =	ssettm $0x7FFFFFFF  }
0xc9: {  	_ =	shalt  }
tec
execute0_lowered:
.L_overlay_start_1:
0x0: {  	(tag) =	ssettag $0x1  }
0x1: {  	s0 =	srdreg.scid  }
0x2: {  	s4 =	rddreg [dreg:$0x0];
	s3 =	sand.u32 $0x1, s0  }
0x3: {  	s5 =	rddreg [dreg:$0x1];
	s0 =	stileid.u32;
	s1 =	sshll.u32 s3, $0x4  }
0x4: {  	s2 =	simm.s32 $0x0;
	s9 =	simm.s32 $0x400;
	s6 =	sor.u32 s0, s1  }
0x5: {  	s10 =	simm.s32 $0x0;
	[smem:$0x7FF] =	sst s2;
	s7 =	sshrl.u32 s6, $0x3  }
0x6: {  	s8 =	sshll.u32 s0, $0x7;
	s3 =	ssub.s32 $0x2, s3;
	s7 =	smul.u32 $0x13C00, s7  }
0x7: {  	s1 =	rddreg [dreg:$0x2];
	s8 =	sand.u32 $0x380, s8;
	s6 =	smul.u32 $0x4E2, s6  }
0x8: {  	_ =	strace $0x80000047;
	s31 =	sshrl.u32 s3, $0x1;
	s7 =	sor.u32 s8, s7  }
0x9: {  	s4 =	sadd.s32 s6, s4;
	s6 =	ssub.s32 s3, s31;
	s7 =	sshrl.u32 s7, $0x3  }
0xa: {  	s3 =	sadd.s32 $0xBE00, s4;
	s8 =	simm.s32 $0x80;
	s4 =	sadd.s32 s5, s7  }
0xb: {  	v0 =	vimm.f32 $0.0e+00;
	v1 =	vimm.f32 $1.000000000e+00;
	s5 =	smax.u32 s6, $0x1;
	s6 =	simm.s32 $0x1;
	s7 =	simm.s32 $0x2780  }
.LBB2_1:
0xc: {  	[tilespmem:s2], [sflag:$0x1] =	stream.linear.gather [hbm4b:s3+s2], $0x2710, $0x38;
	[tilespmem:$0x4F00] =	vst v63  }
0xd: {  	_ =	swait.ge [sflag:s6], $0x2710  }
0xe: {  	[sflag:s6] =	ssyncset.done $0x0  }
0xf: {  	s11 =	simm.s32 $0x0;
	[sflag:s6] =	ssyncadd.s32 $0xFFFFD8F0  }
.LBB2_2:
0x10: {  	p0 =	sne.s32 s11, $0x9C00  }
.Ltmp0:
0x11: {  	_ = 	snop;
	(pc) =	sbr.rel @p0 .LBB2_2-.Ltmp0, $3  }
0x12: {  	_ =	sdelay $0x1  }
0x13: {  	s12 =	sshra.s32 s11, $0x2  }
0x14: {  	s11 =	sadd.s32 $0x40, s11;
	[tilespmem:s12+$0x2780] =	vst v0  }
0x15: {  	s12 =	simm.s32 $0x0;
	s11 =	simm.s32 $0x40  }
.LBB2_4:
0x16: {  	p0 =	sne.s32 s11, $0x9C00;
	v2 =	vld [tilespmem:s12+$0x0];
	_ =	sdelay $0x3  }
.Ltmp1:
0x17: {  	(pc) =	sbr.rel @p0 .LBB2_4-.Ltmp1, $2  }
0x18: {  	_ =	sdelay $0x2  }
0x19: {  	s12 =	sshra.s32 s11, $0x2;
	s11 =	sadd.s32 $0x40, s11;
	[tilespmem:v2+s7+$0x0] =	vst.idx.add.f32.msk $0xffff, v1  }
0x1a: {  	v2 =	vld [tilespmem:s12+$0x0];
	_ =	sdelay $0x5  }
0x1b: {  	s10 =	sadd.s32 $0x1, s10  }
0x1c: {  	p0 =	sne.s32 s10, s5  }
.Ltmp2:
0x1d: {  	[tilespmem:v2+s7+$0x0] =	vst.idx.add.f32.msk $0xffff, v1;
	(pc) =	sbr.rel @p0 .LBB2_1-.Ltmp2, $4  }
0x1e: {  	[hbm4b:s4+s8] =	stream.strided.scatter [tilespmem:s7], [sflag:$0x1], $0x2780, s9, s8, $0x38;
	[tilespmem:$0x4F00] =	vst v63  }
0x1f: {  	_ =	swait.ge [sflag:s6], $0x2780  }
0x20: {  	[sflag:s6] =	ssyncset.done $0x0  }
0x21: {  	[sflag:s6] =	ssyncadd.s32 $0xFFFFD880  }
0x22: {  	_ =	sfence.sel $0x180000  }
0x23: {  	[bflag:$0x0] =	sbarrier.arrive $0xFFFF  }
0x24: {  	p0 =	sne.s32 s0, $0x0;
	_ =	strace $0x90000047  }
0x25: {  	s0 =	sadd.s32 @!p0 $0x100000, s1;
	[bflag:$0x2] =	sbarrier.arrive $0xFFFF  }
0x26: {  	[sflag:s0] =	ssyncadd.tile.s32 @!p0 $0x1;
	_ =	shalt  }
.Lfunc_end2:
_tile_overlayer_lowered:
.L_overlay_start_2:
0x27: {  	(tag) =	ssettag $0x2  }
0x28: {  	s0 =	rddreg [dreg:$0x0];
	s2 =	stileid.u32  }
0x29: {  	s1 =	rddreg [dreg:$0x1];
	p0 =	sne.s32 s2, $0x0  }
0x2a: {  	s3 =	rddreg [dreg:$0x2];
	[bflag:$0x3] =	sbarrier.arrive $0xFFFF;
	s2 =	simm.s32 @!p0 $0x1C01  }
0x2b: {  	[timem:s3], [sflag:s2] =	dma.local @!p0 [hbm:s0], s1  }
0x2c: {  	s0 =	simm.s32 @!p0 $0x1  }
0x2d: {  	_ =	swait.ge @!p0 [sflag:s0], s1  }
0x2e: {  	s1 =	ssub.s32 @!p0 $0x0, s1;
	[sflag:s0] =	ssyncset.done @!p0 $0x0  }
0x2f: {  	[sflag:s0] =	ssyncadd.s32 @!p0 s1  }
0x30: {  	[bflag:$0x3] =	sbarrier.arrive $0xFFFF  }
0x31: {  	_ =	shalt  }

</sc_bundles>
